<compile_context>
chip_gen: v7x
topology: tpu7x:2x2x1
jax: 0.10.2.dev20260603
libtpu: 0.0.44.dev20260713+nightly
codegen_flags: <defaults>
</compile_context>

<pallas_src>
import functools
import jax
import jax.numpy as jnp
from jax import lax
from jax.experimental import pallas as pl
from jax.experimental.pallas import tpu as pltpu, tpu_sc as plsc

N_CLASS = 21
N_ROI = 1000
NP = 1024
CAP = 1040
IMG_H, IMG_W = 600.0, 800.0
SCORE_LOW = 0.05
NMS_THRESH = 0.3
L = 16

_mesh = plsc.VectorSubcoreMesh(core_axis_name="c", subcore_axis_name="s")


@functools.partial(
    pl.kernel,
    mesh=_mesh,
    compiler_params=pltpu.CompilerParams(needs_layout_passes=False),
    out_type=[
        jax.ShapeDtypeStruct((N_CLASS - 1, 4, NP), jnp.float32),
        jax.ShapeDtypeStruct((N_CLASS - 1, NP), jnp.float32),
    ],
    scratch_types=[
        pltpu.VMEM((4, NP), jnp.float32),
        pltpu.VMEM((4, NP), jnp.float32),
        pltpu.VMEM((N_CLASS, NP), jnp.float32),
        pltpu.VMEM((4, NP), jnp.float32),
        pltpu.VMEM((CAP,), jnp.float32),
        pltpu.VMEM((CAP,), jnp.float32),
        pltpu.VMEM((CAP,), jnp.float32),
        pltpu.VMEM((CAP,), jnp.float32),
        pltpu.VMEM((CAP,), jnp.float32),
        pltpu.VMEM((CAP,), jnp.float32),
        pltpu.VMEM((CAP,), jnp.int32),
        pltpu.VMEM((NP,), jnp.float32),
    ],
)
def _sc_nms(rois_hbm, loc_hbm, sc_hbm, boxes_out, scores_out,
            rois_v, loc_v, sc_v, box_v, y1c, x1c, y2c, x2c, areac, scc,
            idxc, out_s):
    core = lax.axis_index("c")
    sub = lax.axis_index("s")
    cls = core * 10 + sub

    @pl.when(sub < 10)
    def _():
        pltpu.sync_copy(rois_hbm, rois_v)
        pltpu.sync_copy(loc_hbm.at[cls], loc_v)
        pltpu.sync_copy(sc_hbm, sc_v)

        lane = lax.broadcasted_iota(jnp.int32, (L,), 0)

        def chunk_body(k, cnt):
            sl = pl.ds(k * L, L)
            vals = [sc_v[cc, sl] for cc in range(N_CLASS)]
            m = vals[0]
            for cc in range(1, N_CLASS):
                m = jnp.maximum(m, vals[cc])
            denom = jnp.exp(vals[0] - m)
            for cc in range(1, N_CLASS):
                denom = denom + jnp.exp(vals[cc] - m)
            s = jnp.exp(sc_v[cls + 1, sl] - m) / denom
            s = jnp.where(s > SCORE_LOW, s, 0.0)
            roi_id = lane + k * L
            s = jnp.where(roi_id < N_ROI, s, 0.0)

            ry1 = rois_v[0, sl]
            rx1 = rois_v[1, sl]
            ry2 = rois_v[2, sl]
            rx2 = rois_v[3, sl]
            sh = ry2 - ry1
            sw = rx2 - rx1
            cy = loc_v[0, sl] * sh + (ry1 + 0.5 * sh)
            cx = loc_v[1, sl] * sw + (rx1 + 0.5 * sw)
            hh = jnp.exp(loc_v[2, sl]) * sh
            ww = jnp.exp(loc_v[3, sl]) * sw
            y1 = jnp.minimum(jnp.maximum(cy - 0.5 * hh, 0.0), IMG_H)
            x1 = jnp.minimum(jnp.maximum(cx - 0.5 * ww, 0.0), IMG_W)
            y2 = jnp.minimum(jnp.maximum(cy + 0.5 * hh, 0.0), IMG_H)
            x2 = jnp.minimum(jnp.maximum(cx + 0.5 * ww, 0.0), IMG_W)
            area = jnp.maximum(y2 - y1, 0.0) * jnp.maximum(x2 - x1, 0.0)

            box_v[0, sl] = y1
            box_v[1, sl] = x1
            box_v[2, sl] = y2
            box_v[3, sl] = x2
            out_s[sl] = jnp.zeros((L,), jnp.float32)

            msk = s > 0.0
            csl = pl.ds(cnt, L)
            plsc.store_compressed(y1c.at[csl], y1, mask=msk)
            plsc.store_compressed(x1c.at[csl], x1, mask=msk)
            plsc.store_compressed(y2c.at[csl], y2, mask=msk)
            plsc.store_compressed(x2c.at[csl], x2, mask=msk)
            plsc.store_compressed(areac.at[csl], area, mask=msk)
            plsc.store_compressed(scc.at[csl], s, mask=msk)
            plsc.store_compressed(idxc.at[csl], roi_id, mask=msk)
            npop = plsc.all_reduce_population_count(msk)
            return cnt + npop[0]

        cnt = lax.fori_loop(0, NP // L, chunk_body, jnp.int32(0))
        scc[pl.ds(cnt, L)] = jnp.zeros((L,), jnp.float32)

        nch = lax.shift_right_logical(cnt + (L - 1), 4)
        nq4 = lax.shift_right_logical(cnt + 3, 2)

        def ichunk_body(t, _):
            isl = pl.ds(t * L, L)
            iy1 = y1c[isl]
            ix1 = x1c[isl]
            iy2 = y2c[isl]
            ix2 = x2c[isl]
            ia = areac[isl]
            si = scc[isl]
            ipos = lane + t * L

            def jc_body(jc, supp):
                for k in range(4):
                    jv = jnp.full((L,), jc * 4 + k, jnp.int32)
                    jy1 = plsc.load_gather(y1c, [jv])
                    jx1 = plsc.load_gather(x1c, [jv])
                    jy2 = plsc.load_gather(y2c, [jv])
                    jx2 = plsc.load_gather(x2c, [jv])
                    ja = plsc.load_gather(areac, [jv])
                    sj = plsc.load_gather(scc, [jv])
                    yy1 = jnp.maximum(iy1, jy1)
                    xx1 = jnp.maximum(ix1, jx1)
                    yy2 = jnp.minimum(iy2, jy2)
                    xx2 = jnp.minimum(ix2, jx2)
                    inter = jnp.maximum(yy2 - yy1, 0.0) * jnp.maximum(xx2 - xx1, 0.0)
                    union = ia + ja - inter
                    iou = inter / jnp.maximum(union, 1e-8)
                    higher = (sj > si) | ((sj == si) & (jv < ipos))
                    supp = supp | (higher & (iou > NMS_THRESH))
                return supp

            supp = lax.fori_loop(0, nq4, jc_body, jnp.zeros((L,), jnp.bool_))
            outv = jnp.where(supp, 0.0, si)
            kmask = ipos < cnt
            plsc.store_scatter(out_s, [idxc[isl]], outv, mask=kmask)
            return 0

        lax.fori_loop(0, nch, ichunk_body, 0)

        pltpu.sync_copy(box_v, boxes_out.at[cls])
        pltpu.sync_copy(out_s, scores_out.at[cls])


def kernel(rois, roi_cls_loc, roi_score):
    rois = rois.astype(jnp.float32)
    loc = roi_cls_loc.astype(jnp.float32).reshape(N_ROI, N_CLASS, 4)[:, 1:, :]
    sc = roi_score.astype(jnp.float32)

    rois_T = jnp.zeros((4, NP), jnp.float32).at[:, :N_ROI].set(rois.T)
    loc_T = jnp.zeros((N_CLASS - 1, 4, NP), jnp.float32).at[:, :, :N_ROI].set(
        loc.transpose(1, 2, 0))
    sc_T = jnp.zeros((N_CLASS, NP), jnp.float32).at[:, :N_ROI].set(sc.T)

    boxes, scores = _sc_nms(rois_T, loc_T, sc_T)
    return boxes.transpose(0, 2, 1)[:, :N_ROI, :], scores[:, :N_ROI]

# --- scband reference (transcript-rebuilt; emitter-appended) ---
"""Pipeline reference for scband-faster-rcnn-2585570312362 (READ-ONLY COPY).

The authoritative reference and input builder live on the scoring server;
editing this copy changes nothing except your own understanding.
"""

import jax, jax.numpy as jnp
import numpy as np

N_CLASS = 21
N_ROI = 1000
IMG_H, IMG_W = 600, 800
SCORE_LOW = 0.05
NMS_THRESH = 0.3


def loc2bbox(src_bbox, loc):
    src_h = src_bbox[:, 2] - src_bbox[:, 0]
    src_w = src_bbox[:, 3] - src_bbox[:, 1]
    src_cy = src_bbox[:, 0] + 0.5 * src_h
    src_cx = src_bbox[:, 1] + 0.5 * src_w
    dy, dx, dh, dw = loc[:, 0], loc[:, 1], loc[:, 2], loc[:, 3]
    cy = dy * src_h + src_cy
    cx = dx * src_w + src_cx
    h = jnp.exp(dh) * src_h
    w = jnp.exp(dw) * src_w
    return jnp.stack([cy - 0.5 * h, cx - 0.5 * w, cy + 0.5 * h, cx + 0.5 * w], axis=1)


def pairwise_iou(boxes):
    y1, x1, y2, x2 = boxes[:, 0], boxes[:, 1], boxes[:, 2], boxes[:, 3]
    area = jnp.maximum(y2 - y1, 0.0) * jnp.maximum(x2 - x1, 0.0)
    iy1 = jnp.maximum(y1[:, None], y1[None, :])
    ix1 = jnp.maximum(x1[:, None], x1[None, :])
    iy2 = jnp.minimum(y2[:, None], y2[None, :])
    ix2 = jnp.minimum(x2[:, None], x2[None, :])
    inter = jnp.maximum(iy2 - iy1, 0.0) * jnp.maximum(ix2 - ix1, 0.0)
    union = area[:, None] + area[None, :] - inter
    return inter / jnp.maximum(union, 1e-8)


def fast_nms(boxes, scores):
    # parallel (YOLACT-style) NMS: sort by score desc; suppress box i if any
    # higher-scoring box j has IoU(i, j) > NMS_THRESH
    order = jnp.argsort(-scores)
    b = jnp.take(boxes, order, axis=0)
    s = jnp.take(scores, order, axis=0)
    iou = pairwise_iou(b)
    n = boxes.shape[0]
    tri = jnp.tril(jnp.ones((n, n), dtype=bool), k=-1)  # j < i (higher score)
    max_iou = jnp.max(jnp.where(tri, iou, 0.0), axis=1)
    keep = (max_iou <= NMS_THRESH) & (s > SCORE_LOW)
    kept_scores = jnp.where(keep, s, 0.0)
    # scatter back to original roi order
    out = jnp.zeros_like(scores).at[order].set(kept_scores)
    return out


def setup_inputs(seed: int = 0) -> dict:
    key = jax.random.key(seed)
    k1, k2, k3, k4, k5, k6 = jax.random.split(key, 6)
    y1 = jax.random.uniform(k1, (N_ROI,)) * (IMG_H - 64)
    x1 = jax.random.uniform(k2, (N_ROI,)) * (IMG_W - 64)
    h = jax.random.uniform(k3, (N_ROI,)) * 180.0 + 16.0
    w = jax.random.uniform(k4, (N_ROI,)) * 180.0 + 16.0
    rois = jnp.stack([y1, x1, jnp.minimum(y1 + h, IMG_H), jnp.minimum(x1 + w, IMG_W)], axis=1).astype(jnp.float32)
    roi_cls_loc = (jax.random.normal(k5, (N_ROI, N_CLASS * 4)) * 0.1).astype(jnp.float32)
    roi_score = jax.random.normal(k6, (N_ROI, N_CLASS)).astype(jnp.float32)
    return {"rois": rois, "roi_cls_loc": roi_cls_loc, "roi_score": roi_score}


def reference(rois, roi_cls_loc, roi_score):
    # FasterRCNN.predict post-processing: softmax over class scores, per-class
    # bbox regression decode (loc2bbox), clip to image, score threshold, NMS.
    prob = jax.nn.softmax(roi_score, axis=-1)
    loc = roi_cls_loc.reshape(-1, N_CLASS, 4)

    def per_class(c):
        cls_bbox = loc2bbox(rois, loc[:, c, :])
        cls_bbox = cls_bbox.at[:, 0::2].set(jnp.clip(cls_bbox[:, 0::2], 0.0, float(IMG_H)))
        cls_bbox = cls_bbox.at[:, 1::2].set(jnp.clip(cls_bbox[:, 1::2], 0.0, float(IMG_W)))
        cls_prob = prob[:, c]
        cls_prob = jnp.where(cls_prob > SCORE_LOW, cls_prob, 0.0)
        out_scores = fast_nms(cls_bbox, cls_prob)
        return cls_bbox, out_scores

    classes = jnp.arange(1, N_CLASS)  # skip background class 0
    bboxes, scores = jax.lax.map(per_class, classes)
    # bboxes: [n_class-1, N_ROI, 4]; scores: [n_class-1, N_ROI]
    # (scores == 0 means below threshold or suppressed by NMS)
    return bboxes, scores

if __name__ == "__main__":
    import jax
    _d = setup_inputs()
    print(jax.jit(kernel)(*tuple(_d.values())))

</pallas_src>

<mosaic_0001>
#map = affine_map<(d0, d1) -> (0, 0)>
#map1 = affine_map<(d0, d1) -> (0, 0, 0)>
module attributes {stable_mosaic.version = 14 : i64} {
  func.func @_sc_nms(%arg0: i32, %arg1: i32, %arg2: memref<4x1024xf32, #tpu.memory_space<hbm>>, %arg3: memref<20x4x1024xf32, #tpu.memory_space<hbm>>, %arg4: memref<21x1024xf32, #tpu.memory_space<hbm>>, %arg5: memref<20x4x1024xf32, #tpu.memory_space<hbm>>, %arg6: memref<20x1024xf32, #tpu.memory_space<hbm>>, %arg7: memref<4x1024xf32, #tpu.memory_space<vmem>>, %arg8: memref<4x1024xf32, #tpu.memory_space<vmem>>, %arg9: memref<21x1024xf32, #tpu.memory_space<vmem>>, %arg10: memref<4x1024xf32, #tpu.memory_space<vmem>>, %arg11: memref<1040xf32, #tpu.memory_space<vmem>>, %arg12: memref<1040xf32, #tpu.memory_space<vmem>>, %arg13: memref<1040xf32, #tpu.memory_space<vmem>>, %arg14: memref<1040xf32, #tpu.memory_space<vmem>>, %arg15: memref<1040xf32, #tpu.memory_space<vmem>>, %arg16: memref<1040xf32, #tpu.memory_space<vmem>>, %arg17: memref<1040xi32, #tpu.memory_space<vmem>>, %arg18: memref<1024xf32, #tpu.memory_space<vmem>>) attributes {dimension_semantics = [#tpu.dimension_semantics<core_parallel>, #tpu.dimension_semantics<subcore_parallel>], iteration_bounds = array<i64: 2, 16>, scalar_prefetch = 0 : i64, scratch_operands = 12 : i64, tpu.core_type = #tpu.core_type<sc_vector_subcore>, window_params = [{transform_indices = #map}, {transform_indices = #map1}, {transform_indices = #map}, {transform_indices = #map1}, {transform_indices = #map}]} {
    %mul3A = arith.constant 10 : i32
    %mul3A_0 = arith.muli %arg0, %mul3A : i32
    %add3A = arith.addi %mul3A_0, %arg1 : i32
    %lt3A = arith.constant 10 : i32
    %lt3A_1 = arith.cmpi slt, %arg1, %lt3A : i32
    %convert_element_type3A = arith.extui %lt3A_1 : i1 to i32
    %cond3A = arith.constant 0 : i32
    %cond3A_2 = arith.cmpi ne, %convert_element_type3A, %cond3A : i32
    scf.if %cond3A_2 {
      "tpu.region"() ({
        %run_scoped3A = tpu.sem_alloc : memref<!tpu.dma_semaphore, #tpu.memory_space<semaphore_mem>>
        tpu.enqueue_dma source(%arg2 : memref<4x1024xf32, #tpu.memory_space<hbm>>) target(%arg7 : memref<4x1024xf32, #tpu.memory_space<vmem>>) target_semaphore(%run_scoped3A : memref<!tpu.dma_semaphore, #tpu.memory_space<semaphore_mem>>)
        tpu.wait_dma2 semaphore(%run_scoped3A : memref<!tpu.dma_semaphore, #tpu.memory_space<semaphore_mem>>) src(%arg2 : memref<4x1024xf32, #tpu.memory_space<hbm>>) dst(%arg7 : memref<4x1024xf32, #tpu.memory_space<vmem>>)
        tpu.yield
      }) : () -> ()
      "tpu.region"() ({
        %run_scoped3A = tpu.sem_alloc : memref<!tpu.dma_semaphore, #tpu.memory_space<semaphore_mem>>
        %dma_start3A = arith.constant 0 : i32
        %dma_start3A_29 = arith.constant 0 : i32
        %dma_start3A_30 = tpu.memref_slice %arg3[%add3A, %dma_start3A, %dma_start3A_29] : memref<20x4x1024xf32, #tpu.memory_space<hbm>> -> memref<1x4x1024xf32, #tpu.memory_space<hbm>>
        %dma_start3A_31 = tpu.memref_squeeze %dma_start3A_30 : memref<1x4x1024xf32, #tpu.memory_space<hbm>> -> memref<4x1024xf32, #tpu.memory_space<hbm>>
        %dma_start3A_32 = arith.constant 0 : i32
        %dma_start3A_33 = arith.constant 0 : i32
        %dma_start3A_34 = tpu.memref_slice %arg3[%add3A, %dma_start3A_32, %dma_start3A_33] : memref<20x4x1024xf32, #tpu.memory_space<hbm>> -> memref<1x4x1024xf32, #tpu.memory_space<hbm>>
        %dma_start3A_35 = tpu.memref_squeeze %dma_start3A_34 : memref<1x4x1024xf32, #tpu.memory_space<hbm>> -> memref<4x1024xf32, #tpu.memory_space<hbm>>
        tpu.enqueue_dma source(%dma_start3A_35 : memref<4x1024xf32, #tpu.memory_space<hbm>>) target(%arg8 : memref<4x1024xf32, #tpu.memory_space<vmem>>) target_semaphore(%run_scoped3A : memref<!tpu.dma_semaphore, #tpu.memory_space<semaphore_mem>>)
        %dma_wait3A = arith.constant 0 : i32
        %dma_wait3A_36 = arith.constant 0 : i32
        %dma_wait3A_37 = tpu.memref_slice %arg3[%add3A, %dma_wait3A, %dma_wait3A_36] : memref<20x4x1024xf32, #tpu.memory_space<hbm>> -> memref<1x4x1024xf32, #tpu.memory_space<hbm>>
        %dma_wait3A_38 = tpu.memref_squeeze %dma_wait3A_37 : memref<1x4x1024xf32, #tpu.memory_space<hbm>> -> memref<4x1024xf32, #tpu.memory_space<hbm>>
        %dma_wait3A_39 = arith.constant 0 : i32
        %dma_wait3A_40 = arith.constant 0 : i32
        %dma_wait3A_41 = tpu.memref_slice %arg3[%add3A, %dma_wait3A_39, %dma_wait3A_40] : memref<20x4x1024xf32, #tpu.memory_space<hbm>> -> memref<1x4x1024xf32, #tpu.memory_space<hbm>>
        %dma_wait3A_42 = tpu.memref_squeeze %dma_wait3A_41 : memref<1x4x1024xf32, #tpu.memory_space<hbm>> -> memref<4x1024xf32, #tpu.memory_space<hbm>>
        tpu.wait_dma2 semaphore(%run_scoped3A : memref<!tpu.dma_semaphore, #tpu.memory_space<semaphore_mem>>) src(%dma_wait3A_42 : memref<4x1024xf32, #tpu.memory_space<hbm>>) dst(%arg8 : memref<4x1024xf32, #tpu.memory_space<vmem>>)
        tpu.yield
      }) : () -> ()
      "tpu.region"() ({
        %run_scoped3A = tpu.sem_alloc : memref<!tpu.dma_semaphore, #tpu.memory_space<semaphore_mem>>
        tpu.enqueue_dma source(%arg4 : memref<21x1024xf32, #tpu.memory_space<hbm>>) target(%arg9 : memref<21x1024xf32, #tpu.memory_space<vmem>>) target_semaphore(%run_scoped3A : memref<!tpu.dma_semaphore, #tpu.memory_space<semaphore_mem>>)
        tpu.wait_dma2 semaphore(%run_scoped3A : memref<!tpu.dma_semaphore, #tpu.memory_space<semaphore_mem>>) src(%arg4 : memref<21x1024xf32, #tpu.memory_space<hbm>>) dst(%arg9 : memref<21x1024xf32, #tpu.memory_space<vmem>>)
        tpu.yield
      }) : () -> ()
      %iota3A = tpu.iota {dimensions = array<i32: 0>} : vector<16xi32>
      %scan3A = arith.constant 0 : i32
      %scan3A_3 = arith.constant 0 : i32
      %scan3A_4 = arith.constant 64 : i32
      %scan3A_5 = arith.addi %scan3A_3, %scan3A_4 : i32
      %scan3A_6 = arith.constant 1 : i32
      %scan3A_7 = scf.for %scan3A_29 = %scan3A_3 to %scan3A_5 step %scan3A_6 iter_args(%scan3A_30 = %scan3A) -> (i32)  : i32 {
        %mul3A_31 = arith.constant 16 : i32
        %mul3A_32 = arith.muli %scan3A_29, %mul3A_31 : i32
        %get3A = arith.constant 0 : i32
        %get3A_33 = arith.index_cast %get3A : i32 to index
        %get3A_34 = arith.index_cast %mul3A_32 : i32 to index
        %get3A_35 = tpu.vector_load %arg9[%get3A_33, %get3A_34] {strides = array<i32>} : memref<21x1024xf32, #tpu.memory_space<vmem>>, vector<16xf32>,
        %get3A_36 = arith.constant 1 : i32
        %get3A_37 = arith.index_cast %get3A_36 : i32 to index
        %get3A_38 = arith.index_cast %mul3A_32 : i32 to index
        %get3A_39 = tpu.vector_load %arg9[%get3A_37, %get3A_38] {strides = array<i32>} : memref<21x1024xf32, #tpu.memory_space<vmem>>, vector<16xf32>,
        %get3A_40 = arith.constant 2 : i32
        %get3A_41 = arith.index_cast %get3A_40 : i32 to index
        %get3A_42 = arith.index_cast %mul3A_32 : i32 to index
        %get3A_43 = tpu.vector_load %arg9[%get3A_41, %get3A_42] {strides = array<i32>} : memref<21x1024xf32, #tpu.memory_space<vmem>>, vector<16xf32>,
        %get3A_44 = arith.constant 3 : i32
        %get3A_45 = arith.index_cast %get3A_44 : i32 to index
        %get3A_46 = arith.index_cast %mul3A_32 : i32 to index
        %get3A_47 = tpu.vector_load %arg9[%get3A_45, %get3A_46] {strides = array<i32>} : memref<21x1024xf32, #tpu.memory_space<vmem>>, vector<16xf32>,
        %get3A_48 = arith.constant 4 : i32
        %get3A_49 = arith.index_cast %get3A_48 : i32 to index
        %get3A_50 = arith.index_cast %mul3A_32 : i32 to index
        %get3A_51 = tpu.vector_load %arg9[%get3A_49, %get3A_50] {strides = array<i32>} : memref<21x1024xf32, #tpu.memory_space<vmem>>, vector<16xf32>,
        %get3A_52 = arith.constant 5 : i32
        %get3A_53 = arith.index_cast %get3A_52 : i32 to index
        %get3A_54 = arith.index_cast %mul3A_32 : i32 to index
        %get3A_55 = tpu.vector_load %arg9[%get3A_53, %get3A_54] {strides = array<i32>} : memref<21x1024xf32, #tpu.memory_space<vmem>>, vector<16xf32>,
        %get3A_56 = arith.constant 6 : i32
        %get3A_57 = arith.index_cast %get3A_56 : i32 to index
        %get3A_58 = arith.index_cast %mul3A_32 : i32 to index
        %get3A_59 = tpu.vector_load %arg9[%get3A_57, %get3A_58] {strides = array<i32>} : memref<21x1024xf32, #tpu.memory_space<vmem>>, vector<16xf32>,
        %get3A_60 = arith.constant 7 : i32
        %get3A_61 = arith.index_cast %get3A_60 : i32 to index
        %get3A_62 = arith.index_cast %mul3A_32 : i32 to index
        %get3A_63 = tpu.vector_load %arg9[%get3A_61, %get3A_62] {strides = array<i32>} : memref<21x1024xf32, #tpu.memory_space<vmem>>, vector<16xf32>,
        %get3A_64 = arith.constant 8 : i32
        %get3A_65 = arith.index_cast %get3A_64 : i32 to index
        %get3A_66 = arith.index_cast %mul3A_32 : i32 to index
        %get3A_67 = tpu.vector_load %arg9[%get3A_65, %get3A_66] {strides = array<i32>} : memref<21x1024xf32, #tpu.memory_space<vmem>>, vector<16xf32>,
        %get3A_68 = arith.constant 9 : i32
        %get3A_69 = arith.index_cast %get3A_68 : i32 to index
        %get3A_70 = arith.index_cast %mul3A_32 : i32 to index
        %get3A_71 = tpu.vector_load %arg9[%get3A_69, %get3A_70] {strides = array<i32>} : memref<21x1024xf32, #tpu.memory_space<vmem>>, vector<16xf32>,
        %get3A_72 = arith.constant 10 : i32
        %get3A_73 = arith.index_cast %get3A_72 : i32 to index
        %get3A_74 = arith.index_cast %mul3A_32 : i32 to index
        %get3A_75 = tpu.vector_load %arg9[%get3A_73, %get3A_74] {strides = array<i32>} : memref<21x1024xf32, #tpu.memory_space<vmem>>, vector<16xf32>,
        %get3A_76 = arith.constant 11 : i32
        %get3A_77 = arith.index_cast %get3A_76 : i32 to index
        %get3A_78 = arith.index_cast %mul3A_32 : i32 to index
        %get3A_79 = tpu.vector_load %arg9[%get3A_77, %get3A_78] {strides = array<i32>} : memref<21x1024xf32, #tpu.memory_space<vmem>>, vector<16xf32>,
        %get3A_80 = arith.constant 12 : i32
        %get3A_81 = arith.index_cast %get3A_80 : i32 to index
        %get3A_82 = arith.index_cast %mul3A_32 : i32 to index
        %get3A_83 = tpu.vector_load %arg9[%get3A_81, %get3A_82] {strides = array<i32>} : memref<21x1024xf32, #tpu.memory_space<vmem>>, vector<16xf32>,
        %get3A_84 = arith.constant 13 : i32
        %get3A_85 = arith.index_cast %get3A_84 : i32 to index
        %get3A_86 = arith.index_cast %mul3A_32 : i32 to index
        %get3A_87 = tpu.vector_load %arg9[%get3A_85, %get3A_86] {strides = array<i32>} : memref<21x1024xf32, #tpu.memory_space<vmem>>, vector<16xf32>,
        %get3A_88 = arith.constant 14 : i32
        %get3A_89 = arith.index_cast %get3A_88 : i32 to index
        %get3A_90 = arith.index_cast %mul3A_32 : i32 to index
        %get3A_91 = tpu.vector_load %arg9[%get3A_89, %get3A_90] {strides = array<i32>} : memref<21x1024xf32, #tpu.memory_space<vmem>>, vector<16xf32>,
        %get3A_92 = arith.constant 15 : i32
        %get3A_93 = arith.index_cast %get3A_92 : i32 to index
        %get3A_94 = arith.index_cast %mul3A_32 : i32 to index
        %get3A_95 = tpu.vector_load %arg9[%get3A_93, %get3A_94] {strides = array<i32>} : memref<21x1024xf32, #tpu.memory_space<vmem>>, vector<16xf32>,
        %get3A_96 = arith.constant 16 : i32
        %get3A_97 = arith.index_cast %get3A_96 : i32 to index
        %get3A_98 = arith.index_cast %mul3A_32 : i32 to index
        %get3A_99 = tpu.vector_load %arg9[%get3A_97, %get3A_98] {strides = array<i32>} : memref<21x1024xf32, #tpu.memory_space<vmem>>, vector<16xf32>,
        %get3A_100 = arith.constant 17 : i32
        %get3A_101 = arith.index_cast %get3A_100 : i32 to index
        %get3A_102 = arith.index_cast %mul3A_32 : i32 to index
        %get3A_103 = tpu.vector_load %arg9[%get3A_101, %get3A_102] {strides = array<i32>} : memref<21x1024xf32, #tpu.memory_space<vmem>>, vector<16xf32>,
        %get3A_104 = arith.constant 18 : i32
        %get3A_105 = arith.index_cast %get3A_104 : i32 to index
        %get3A_106 = arith.index_cast %mul3A_32 : i32 to index
        %get3A_107 = tpu.vector_load %arg9[%get3A_105, %get3A_106] {strides = array<i32>} : memref<21x1024xf32, #tpu.memory_space<vmem>>, vector<16xf32>,
        %get3A_108 = arith.constant 19 : i32
        %get3A_109 = arith.index_cast %get3A_108 : i32 to index
        %get3A_110 = arith.index_cast %mul3A_32 : i32 to index
        %get3A_111 = tpu.vector_load %arg9[%get3A_109, %get3A_110] {strides = array<i32>} : memref<21x1024xf32, #tpu.memory_space<vmem>>, vector<16xf32>,
        %get3A_112 = arith.constant 20 : i32
        %get3A_113 = arith.index_cast %get3A_112 : i32 to index
        %get3A_114 = arith.index_cast %mul3A_32 : i32 to index
        %get3A_115 = tpu.vector_load %arg9[%get3A_113, %get3A_114] {strides = array<i32>} : memref<21x1024xf32, #tpu.memory_space<vmem>>, vector<16xf32>,
        %max3A = arith.maximumf %get3A_35, %get3A_39 : vector<16xf32>
        %max3A_116 = arith.maximumf %max3A, %get3A_43 : vector<16xf32>
        %max3A_117 = arith.maximumf %max3A_116, %get3A_47 : vector<16xf32>
        %max3A_118 = arith.maximumf %max3A_117, %get3A_51 : vector<16xf32>
        %max3A_119 = arith.maximumf %max3A_118, %get3A_55 : vector<16xf32>
        %max3A_120 = arith.maximumf %max3A_119, %get3A_59 : vector<16xf32>
        %max3A_121 = arith.maximumf %max3A_120, %get3A_63 : vector<16xf32>
        %max3A_122 = arith.maximumf %max3A_121, %get3A_67 : vector<16xf32>
        %max3A_123 = arith.maximumf %max3A_122, %get3A_71 : vector<16xf32>
        %max3A_124 = arith.maximumf %max3A_123, %get3A_75 : vector<16xf32>
        %max3A_125 = arith.maximumf %max3A_124, %get3A_79 : vector<16xf32>
        %max3A_126 = arith.maximumf %max3A_125, %get3A_83 : vector<16xf32>
        %max3A_127 = arith.maximumf %max3A_126, %get3A_87 : vector<16xf32>
        %max3A_128 = arith.maximumf %max3A_127, %get3A_91 : vector<16xf32>
        %max3A_129 = arith.maximumf %max3A_128, %get3A_95 : vector<16xf32>
        %max3A_130 = arith.maximumf %max3A_129, %get3A_99 : vector<16xf32>
        %max3A_131 = arith.maximumf %max3A_130, %get3A_103 : vector<16xf32>
        %max3A_132 = arith.maximumf %max3A_131, %get3A_107 : vector<16xf32>
        %max3A_133 = arith.maximumf %max3A_132, %get3A_111 : vector<16xf32>
        %max3A_134 = arith.maximumf %max3A_133, %get3A_115 : vector<16xf32>
        %sub3A = arith.subf %get3A_35, %max3A_134 : vector<16xf32>
        %exp3A = math.exp %sub3A : vector<16xf32>
        %sub3A_135 = arith.subf %get3A_39, %max3A_134 : vector<16xf32>
        %exp3A_136 = math.exp %sub3A_135 : vector<16xf32>
        %add3A_137 = arith.addf %exp3A, %exp3A_136 : vector<16xf32>
        %sub3A_138 = arith.subf %get3A_43, %max3A_134 : vector<16xf32>
        %exp3A_139 = math.exp %sub3A_138 : vector<16xf32>
        %add3A_140 = arith.addf %add3A_137, %exp3A_139 : vector<16xf32>
        %sub3A_141 = arith.subf %get3A_47, %max3A_134 : vector<16xf32>
        %exp3A_142 = math.exp %sub3A_141 : vector<16xf32>
        %add3A_143 = arith.addf %add3A_140, %exp3A_142 : vector<16xf32>
        %sub3A_144 = arith.subf %get3A_51, %max3A_134 : vector<16xf32>
        %exp3A_145 = math.exp %sub3A_144 : vector<16xf32>
        %add3A_146 = arith.addf %add3A_143, %exp3A_145 : vector<16xf32>
        %sub3A_147 = arith.subf %get3A_55, %max3A_134 : vector<16xf32>
        %exp3A_148 = math.exp %sub3A_147 : vector<16xf32>
        %add3A_149 = arith.addf %add3A_146, %exp3A_148 : vector<16xf32>
        %sub3A_150 = arith.subf %get3A_59, %max3A_134 : vector<16xf32>
        %exp3A_151 = math.exp %sub3A_150 : vector<16xf32>
        %add3A_152 = arith.addf %add3A_149, %exp3A_151 : vector<16xf32>
        %sub3A_153 = arith.subf %get3A_63, %max3A_134 : vector<16xf32>
        %exp3A_154 = math.exp %sub3A_153 : vector<16xf32>
        %add3A_155 = arith.addf %add3A_152, %exp3A_154 : vector<16xf32>
        %sub3A_156 = arith.subf %get3A_67, %max3A_134 : vector<16xf32>
        %exp3A_157 = math.exp %sub3A_156 : vector<16xf32>
        %add3A_158 = arith.addf %add3A_155, %exp3A_157 : vector<16xf32>
        %sub3A_159 = arith.subf %get3A_71, %max3A_134 : vector<16xf32>
        %exp3A_160 = math.exp %sub3A_159 : vector<16xf32>
        %add3A_161 = arith.addf %add3A_158, %exp3A_160 : vector<16xf32>
        %sub3A_162 = arith.subf %get3A_75, %max3A_134 : vector<16xf32>
        %exp3A_163 = math.exp %sub3A_162 : vector<16xf32>
        %add3A_164 = arith.addf %add3A_161, %exp3A_163 : vector<16xf32>
        %sub3A_165 = arith.subf %get3A_79, %max3A_134 : vector<16xf32>
        %exp3A_166 = math.exp %sub3A_165 : vector<16xf32>
        %add3A_167 = arith.addf %add3A_164, %exp3A_166 : vector<16xf32>
        %sub3A_168 = arith.subf %get3A_83, %max3A_134 : vector<16xf32>
        %exp3A_169 = math.exp %sub3A_168 : vector<16xf32>
        %add3A_170 = arith.addf %add3A_167, %exp3A_169 : vector<16xf32>
        %sub3A_171 = arith.subf %get3A_87, %max3A_134 : vector<16xf32>
        %exp3A_172 = math.exp %sub3A_171 : vector<16xf32>
        %add3A_173 = arith.addf %add3A_170, %exp3A_172 : vector<16xf32>
        %sub3A_174 = arith.subf %get3A_91, %max3A_134 : vector<16xf32>
        %exp3A_175 = math.exp %sub3A_174 : vector<16xf32>
        %add3A_176 = arith.addf %add3A_173, %exp3A_175 : vector<16xf32>
        %sub3A_177 = arith.subf %get3A_95, %max3A_134 : vector<16xf32>
        %exp3A_178 = math.exp %sub3A_177 : vector<16xf32>
        %add3A_179 = arith.addf %add3A_176, %exp3A_178 : vector<16xf32>
        %sub3A_180 = arith.subf %get3A_99, %max3A_134 : vector<16xf32>
        %exp3A_181 = math.exp %sub3A_180 : vector<16xf32>
        %add3A_182 = arith.addf %add3A_179, %exp3A_181 : vector<16xf32>
        %sub3A_183 = arith.subf %get3A_103, %max3A_134 : vector<16xf32>
        %exp3A_184 = math.exp %sub3A_183 : vector<16xf32>
        %add3A_185 = arith.addf %add3A_182, %exp3A_184 : vector<16xf32>
        %sub3A_186 = arith.subf %get3A_107, %max3A_134 : vector<16xf32>
        %exp3A_187 = math.exp %sub3A_186 : vector<16xf32>
        %add3A_188 = arith.addf %add3A_185, %exp3A_187 : vector<16xf32>
        %sub3A_189 = arith.subf %get3A_111, %max3A_134 : vector<16xf32>
        %exp3A_190 = math.exp %sub3A_189 : vector<16xf32>
        %add3A_191 = arith.addf %add3A_188, %exp3A_190 : vector<16xf32>
        %sub3A_192 = arith.subf %get3A_115, %max3A_134 : vector<16xf32>
        %exp3A_193 = math.exp %sub3A_192 : vector<16xf32>
        %add3A_194 = arith.addf %add3A_191, %exp3A_193 : vector<16xf32>
        %add3A_195 = arith.constant 1 : i32
        %add3A_196 = arith.addi %add3A, %add3A_195 : i32
        %get3A_197 = arith.index_cast %add3A_196 : i32 to index
        %get3A_198 = arith.index_cast %mul3A_32 : i32 to index
        %get3A_199 = tpu.vector_load %arg9[%get3A_197, %get3A_198] {strides = array<i32>} : memref<21x1024xf32, #tpu.memory_space<vmem>>, vector<16xf32>,
        %sub3A_200 = arith.subf %get3A_199, %max3A_134 : vector<16xf32>
        %exp3A_201 = math.exp %sub3A_200 : vector<16xf32>
        %div3A = arith.divf %exp3A_201, %add3A_194 : vector<16xf32>
        %gt3A = arith.constant 5.000000e-02 : f32
        %gt3A_202 = vector.broadcast %gt3A : f32 to vector<16xf32>
        %gt3A_203 = arith.cmpf ogt, %div3A, %gt3A_202 : vector<16xf32>
        %jit3A = arith.constant 0.000000e+00 : f32
        %broadcast_in_dim3A_204 = vector.broadcast %jit3A : f32 to vector<16xf32>
        %select_n3A = arith.select %gt3A_203, %div3A, %broadcast_in_dim3A_204 : vector<16xi1>, vector<16xf32>
        %mul3A_205 = arith.constant 16 : i32
        %mul3A_206 = arith.muli %scan3A_29, %mul3A_205 : i32
        %add3A_207 = vector.broadcast %mul3A_206 : i32 to vector<16xi32>
        %add3A_208 = arith.addi %iota3A, %add3A_207 : vector<16xi32>
        %lt3A_209 = arith.constant 1000 : i32
        %lt3A_210 = vector.broadcast %lt3A_209 : i32 to vector<16xi32>
        %lt3A_211 = arith.cmpi slt, %add3A_208, %lt3A_210 : vector<16xi32>
        %jit3A_212 = arith.constant 0.000000e+00 : f32
        %broadcast_in_dim3A_213 = vector.broadcast %jit3A_212 : f32 to vector<16xf32>
        %select_n3A_214 = arith.select %lt3A_211, %select_n3A, %broadcast_in_dim3A_213 : vector<16xi1>, vector<16xf32>
        %get3A_215 = arith.constant 0 : i32
        %get3A_216 = arith.index_cast %get3A_215 : i32 to index
        %get3A_217 = arith.index_cast %mul3A_32 : i32 to index
        %get3A_218 = tpu.vector_load %arg7[%get3A_216, %get3A_217] {strides = array<i32>} : memref<4x1024xf32, #tpu.memory_space<vmem>>, vector<16xf32>,
        %get3A_219 = arith.constant 1 : i32
        %get3A_220 = arith.index_cast %get3A_219 : i32 to index
        %get3A_221 = arith.index_cast %mul3A_32 : i32 to index
        %get3A_222 = tpu.vector_load %arg7[%get3A_220, %get3A_221] {strides = array<i32>} : memref<4x1024xf32, #tpu.memory_space<vmem>>, vector<16xf32>,
        %get3A_223 = arith.constant 2 : i32
        %get3A_224 = arith.index_cast %get3A_223 : i32 to index
        %get3A_225 = arith.index_cast %mul3A_32 : i32 to index
        %get3A_226 = tpu.vector_load %arg7[%get3A_224, %get3A_225] {strides = array<i32>} : memref<4x1024xf32, #tpu.memory_space<vmem>>, vector<16xf32>,
        %get3A_227 = arith.constant 3 : i32
        %get3A_228 = arith.index_cast %get3A_227 : i32 to index
        %get3A_229 = arith.index_cast %mul3A_32 : i32 to index
        %get3A_230 = tpu.vector_load %arg7[%get3A_228, %get3A_229] {strides = array<i32>} : memref<4x1024xf32, #tpu.memory_space<vmem>>, vector<16xf32>,
        %sub3A_231 = arith.subf %get3A_226, %get3A_218 : vector<16xf32>
        %sub3A_232 = arith.subf %get3A_230, %get3A_222 : vector<16xf32>
        %get3A_233 = arith.constant 0 : i32
        %get3A_234 = arith.index_cast %get3A_233 : i32 to index
        %get3A_235 = arith.index_cast %mul3A_32 : i32 to index
        %get3A_236 = tpu.vector_load %arg8[%get3A_234, %get3A_235] {strides = array<i32>} : memref<4x1024xf32, #tpu.memory_space<vmem>>, vector<16xf32>,
        %mul3A_237 = arith.mulf %get3A_236, %sub3A_231 : vector<16xf32>
        %mul3A_238 = arith.constant 5.000000e-01 : f32
        %mul3A_239 = vector.broadcast %mul3A_238 : f32 to vector<16xf32>
        %mul3A_240 = arith.mulf %mul3A_239, %sub3A_231 : vector<16xf32>
        %add3A_241 = arith.addf %get3A_218, %mul3A_240 : vector<16xf32>
        %add3A_242 = arith.addf %mul3A_237, %add3A_241 : vector<16xf32>
        %get3A_243 = arith.constant 1 : i32
        %get3A_244 = arith.index_cast %get3A_243 : i32 to index
        %get3A_245 = arith.index_cast %mul3A_32 : i32 to index
        %get3A_246 = tpu.vector_load %arg8[%get3A_244, %get3A_245] {strides = array<i32>} : memref<4x1024xf32, #tpu.memory_space<vmem>>, vector<16xf32>,
        %mul3A_247 = arith.mulf %get3A_246, %sub3A_232 : vector<16xf32>
        %mul3A_248 = arith.constant 5.000000e-01 : f32
        %mul3A_249 = vector.broadcast %mul3A_248 : f32 to vector<16xf32>
        %mul3A_250 = arith.mulf %mul3A_249, %sub3A_232 : vector<16xf32>
        %add3A_251 = arith.addf %get3A_222, %mul3A_250 : vector<16xf32>
        %add3A_252 = arith.addf %mul3A_247, %add3A_251 : vector<16xf32>
        %get3A_253 = arith.constant 2 : i32
        %get3A_254 = arith.index_cast %get3A_253 : i32 to index
        %get3A_255 = arith.index_cast %mul3A_32 : i32 to index
        %get3A_256 = tpu.vector_load %arg8[%get3A_254, %get3A_255] {strides = array<i32>} : memref<4x1024xf32, #tpu.memory_space<vmem>>, vector<16xf32>,
        %exp3A_257 = math.exp %get3A_256 : vector<16xf32>
        %mul3A_258 = arith.mulf %exp3A_257, %sub3A_231 : vector<16xf32>
        %get3A_259 = arith.constant 3 : i32
        %get3A_260 = arith.index_cast %get3A_259 : i32 to index
        %get3A_261 = arith.index_cast %mul3A_32 : i32 to index
        %get3A_262 = tpu.vector_load %arg8[%get3A_260, %get3A_261] {strides = array<i32>} : memref<4x1024xf32, #tpu.memory_space<vmem>>, vector<16xf32>,
        %exp3A_263 = math.exp %get3A_262 : vector<16xf32>
        %mul3A_264 = arith.mulf %exp3A_263, %sub3A_232 : vector<16xf32>
        %mul3A_265 = arith.constant 5.000000e-01 : f32
        %mul3A_266 = vector.broadcast %mul3A_265 : f32 to vector<16xf32>
        %mul3A_267 = arith.mulf %mul3A_266, %mul3A_258 : vector<16xf32>
        %sub3A_268 = arith.subf %add3A_242, %mul3A_267 : vector<16xf32>
        %max3A_269 = arith.constant 0.000000e+00 : f32
        %max3A_270 = vector.broadcast %max3A_269 : f32 to vector<16xf32>
        %max3A_271 = arith.maximumf %sub3A_268, %max3A_270 : vector<16xf32>
        %min3A = arith.constant 6.000000e+02 : f32
        %min3A_272 = vector.broadcast %min3A : f32 to vector<16xf32>
        %min3A_273 = arith.minimumf %max3A_271, %min3A_272 : vector<16xf32>
        %mul3A_274 = arith.constant 5.000000e-01 : f32
        %mul3A_275 = vector.broadcast %mul3A_274 : f32 to vector<16xf32>
        %mul3A_276 = arith.mulf %mul3A_275, %mul3A_264 : vector<16xf32>
        %sub3A_277 = arith.subf %add3A_252, %mul3A_276 : vector<16xf32>
        %max3A_278 = arith.constant 0.000000e+00 : f32
        %max3A_279 = vector.broadcast %max3A_278 : f32 to vector<16xf32>
        %max3A_280 = arith.maximumf %sub3A_277, %max3A_279 : vector<16xf32>
        %min3A_281 = arith.constant 8.000000e+02 : f32
        %min3A_282 = vector.broadcast %min3A_281 : f32 to vector<16xf32>
        %min3A_283 = arith.minimumf %max3A_280, %min3A_282 : vector<16xf32>
        %mul3A_284 = arith.constant 5.000000e-01 : f32
        %mul3A_285 = vector.broadcast %mul3A_284 : f32 to vector<16xf32>
        %mul3A_286 = arith.mulf %mul3A_285, %mul3A_258 : vector<16xf32>
        %add3A_287 = arith.addf %add3A_242, %mul3A_286 : vector<16xf32>
        %max3A_288 = arith.constant 0.000000e+00 : f32
        %max3A_289 = vector.broadcast %max3A_288 : f32 to vector<16xf32>
        %max3A_290 = arith.maximumf %add3A_287, %max3A_289 : vector<16xf32>
        %min3A_291 = arith.constant 6.000000e+02 : f32
        %min3A_292 = vector.broadcast %min3A_291 : f32 to vector<16xf32>
        %min3A_293 = arith.minimumf %max3A_290, %min3A_292 : vector<16xf32>
        %mul3A_294 = arith.constant 5.000000e-01 : f32
        %mul3A_295 = vector.broadcast %mul3A_294 : f32 to vector<16xf32>
        %mul3A_296 = arith.mulf %mul3A_295, %mul3A_264 : vector<16xf32>
        %add3A_297 = arith.addf %add3A_252, %mul3A_296 : vector<16xf32>
        %max3A_298 = arith.constant 0.000000e+00 : f32
        %max3A_299 = vector.broadcast %max3A_298 : f32 to vector<16xf32>
        %max3A_300 = arith.maximumf %add3A_297, %max3A_299 : vector<16xf32>
        %min3A_301 = arith.constant 8.000000e+02 : f32
        %min3A_302 = vector.broadcast %min3A_301 : f32 to vector<16xf32>
        %min3A_303 = arith.minimumf %max3A_300, %min3A_302 : vector<16xf32>
        %sub3A_304 = arith.subf %min3A_293, %min3A_273 : vector<16xf32>
        %max3A_305 = arith.constant 0.000000e+00 : f32
        %max3A_306 = vector.broadcast %max3A_305 : f32 to vector<16xf32>
        %max3A_307 = arith.maximumf %sub3A_304, %max3A_306 : vector<16xf32>
        %sub3A_308 = arith.subf %min3A_303, %min3A_283 : vector<16xf32>
        %max3A_309 = arith.constant 0.000000e+00 : f32
        %max3A_310 = vector.broadcast %max3A_309 : f32 to vector<16xf32>
        %max3A_311 = arith.maximumf %sub3A_308, %max3A_310 : vector<16xf32>
        %mul3A_312 = arith.mulf %max3A_307, %max3A_311 : vector<16xf32>
        %swap3A_313 = arith.constant 0 : i32
        %swap3A_314 = arith.index_cast %swap3A_313 : i32 to index
        %swap3A_315 = arith.index_cast %mul3A_32 : i32 to index
        %swap3A_316 = tpu.vector_load %arg10[%swap3A_314, %swap3A_315] {strides = array<i32>} : memref<4x1024xf32, #tpu.memory_space<vmem>>, vector<16xf32>,
        tpu.vector_store %arg10[%swap3A_314, %swap3A_315], %min3A_273 {strides = array<i32>} : memref<4x1024xf32, #tpu.memory_space<vmem>>, vector<16xf32>,
        %swap3A_317 = arith.constant 1 : i32
        %swap3A_318 = arith.index_cast %swap3A_317 : i32 to index
        %swap3A_319 = arith.index_cast %mul3A_32 : i32 to index
        %swap3A_320 = tpu.vector_load %arg10[%swap3A_318, %swap3A_319] {strides = array<i32>} : memref<4x1024xf32, #tpu.memory_space<vmem>>, vector<16xf32>,
        tpu.vector_store %arg10[%swap3A_318, %swap3A_319], %min3A_283 {strides = array<i32>} : memref<4x1024xf32, #tpu.memory_space<vmem>>, vector<16xf32>,
        %swap3A_321 = arith.constant 2 : i32
        %swap3A_322 = arith.index_cast %swap3A_321 : i32 to index
        %swap3A_323 = arith.index_cast %mul3A_32 : i32 to index
        %swap3A_324 = tpu.vector_load %arg10[%swap3A_322, %swap3A_323] {strides = array<i32>} : memref<4x1024xf32, #tpu.memory_space<vmem>>, vector<16xf32>,
        tpu.vector_store %arg10[%swap3A_322, %swap3A_323], %min3A_293 {strides = array<i32>} : memref<4x1024xf32, #tpu.memory_space<vmem>>, vector<16xf32>,
        %swap3A_325 = arith.constant 3 : i32
        %swap3A_326 = arith.index_cast %swap3A_325 : i32 to index
        %swap3A_327 = arith.index_cast %mul3A_32 : i32 to index
        %swap3A_328 = tpu.vector_load %arg10[%swap3A_326, %swap3A_327] {strides = array<i32>} : memref<4x1024xf32, #tpu.memory_space<vmem>>, vector<16xf32>,
        tpu.vector_store %arg10[%swap3A_326, %swap3A_327], %min3A_303 {strides = array<i32>} : memref<4x1024xf32, #tpu.memory_space<vmem>>, vector<16xf32>,
        %broadcast_in_dim3A_329 = arith.constant 0.000000e+00 : f32
        %broadcast_in_dim3A_330 = vector.broadcast %broadcast_in_dim3A_329 : f32 to vector<16xf32>
        %swap3A_331 = arith.index_cast %mul3A_32 : i32 to index
        %swap3A_332 = tpu.vector_load %arg18[%swap3A_331] {strides = array<i32>} : memref<1024xf32, #tpu.memory_space<vmem>>, vector<16xf32>,
        tpu.vector_store %arg18[%swap3A_331], %broadcast_in_dim3A_330 {strides = array<i32>} : memref<1024xf32, #tpu.memory_space<vmem>>, vector<16xf32>,
        %gt3A_333 = arith.constant 0.000000e+00 : f32
        %gt3A_334 = vector.broadcast %gt3A_333 : f32 to vector<16xf32>
        %gt3A_335 = arith.cmpf ogt, %select_n3A_214, %gt3A_334 : vector<16xf32>
        %swap3A_336 = arith.index_cast %scan3A_30 : i32 to index
        %swap3A_337 = tpu.vector_load %arg11[%swap3A_336] masked %gt3A_335 {strides = array<i32>} : memref<1040xf32, #tpu.memory_space<vmem>>, vector<16xf32>, vector<16xi1>
        tpu.vector_store %arg11[%swap3A_336], %min3A_273 masked %gt3A_335 {strides = array<i32>} : memref<1040xf32, #tpu.memory_space<vmem>>, vector<16xf32>, vector<16xi1>
        %swap3A_338 = arith.index_cast %scan3A_30 : i32 to index
        %swap3A_339 = tpu.vector_load %arg12[%swap3A_338] masked %gt3A_335 {strides = array<i32>} : memref<1040xf32, #tpu.memory_space<vmem>>, vector<16xf32>, vector<16xi1>
        tpu.vector_store %arg12[%swap3A_338], %min3A_283 masked %gt3A_335 {strides = array<i32>} : memref<1040xf32, #tpu.memory_space<vmem>>, vector<16xf32>, vector<16xi1>
        %swap3A_340 = arith.index_cast %scan3A_30 : i32 to index
        %swap3A_341 = tpu.vector_load %arg13[%swap3A_340] masked %gt3A_335 {strides = array<i32>} : memref<1040xf32, #tpu.memory_space<vmem>>, vector<16xf32>, vector<16xi1>
        tpu.vector_store %arg13[%swap3A_340], %min3A_293 masked %gt3A_335 {strides = array<i32>} : memref<1040xf32, #tpu.memory_space<vmem>>, vector<16xf32>, vector<16xi1>
        %swap3A_342 = arith.index_cast %scan3A_30 : i32 to index
        %swap3A_343 = tpu.vector_load %arg14[%swap3A_342] masked %gt3A_335 {strides = array<i32>} : memref<1040xf32, #tpu.memory_space<vmem>>, vector<16xf32>, vector<16xi1>
        tpu.vector_store %arg14[%swap3A_342], %min3A_303 masked %gt3A_335 {strides = array<i32>} : memref<1040xf32, #tpu.memory_space<vmem>>, vector<16xf32>, vector<16xi1>
        %swap3A_344 = arith.index_cast %scan3A_30 : i32 to index
        %swap3A_345 = tpu.vector_load %arg15[%swap3A_344] masked %gt3A_335 {strides = array<i32>} : memref<1040xf32, #tpu.memory_space<vmem>>, vector<16xf32>, vector<16xi1>
        tpu.vector_store %arg15[%swap3A_344], %mul3A_312 masked %gt3A_335 {strides = array<i32>} : memref<1040xf32, #tpu.memory_space<vmem>>, vector<16xf32>, vector<16xi1>
        %swap3A_346 = arith.index_cast %scan3A_30 : i32 to index
        %swap3A_347 = tpu.vector_load %arg16[%swap3A_346] masked %gt3A_335 {strides = array<i32>} : memref<1040xf32, #tpu.memory_space<vmem>>, vector<16xf32>, vector<16xi1>
        tpu.vector_store %arg16[%swap3A_346], %select_n3A_214 masked %gt3A_335 {strides = array<i32>} : memref<1040xf32, #tpu.memory_space<vmem>>, vector<16xf32>, vector<16xi1>
        %swap3A_348 = arith.index_cast %scan3A_30 : i32 to index
        %swap3A_349 = tpu.vector_load %arg17[%swap3A_348] masked %gt3A_335 {strides = array<i32>} : memref<1040xi32, #tpu.memory_space<vmem>>, vector<16xi32>, vector<16xi1>
        tpu.vector_store %arg17[%swap3A_348], %add3A_208 masked %gt3A_335 {strides = array<i32>} : memref<1040xi32, #tpu.memory_space<vmem>>, vector<16xi32>, vector<16xi1>
        %all_reduce_population_count3A = tpu.all_reduce %gt3A_335 {dim = 0 : i64, kind = #tpu.reduction_kind<sum>} : vector<16xi1> -> vector<16xi32>
        %slice3A = vector.extract_strided_slice %all_reduce_population_count3A {offsets = [0], sizes = [1], strides = [1]} : vector<16xi32> to vector<1xi32>
        %squeeze3A = vector.extract %slice3A[0] : i32 from vector<1xi32>
        %add3A_350 = arith.addi %scan3A_30, %squeeze3A : i32
        scf.yield %add3A_350 : i32
      }
      %scan3A_8 = arith.constant 64 : i32
      %broadcast_in_dim3A = arith.constant 0.000000e+00 : f32
      %broadcast_in_dim3A_9 = vector.broadcast %broadcast_in_dim3A : f32 to vector<16xf32>
      %swap3A = arith.index_cast %scan3A_7 : i32 to index
      %swap3A_10 = tpu.vector_load %arg16[%swap3A] {strides = array<i32>} : memref<1040xf32, #tpu.memory_space<vmem>>, vector<16xf32>,
      tpu.vector_store %arg16[%swap3A], %broadcast_in_dim3A_9 {strides = array<i32>} : memref<1040xf32, #tpu.memory_space<vmem>>, vector<16xf32>,
      %add3A_11 = arith.constant 15 : i32
      %add3A_12 = arith.addi %scan3A_7, %add3A_11 : i32
      %shift_right_logical3A = arith.constant 4 : i32
      %shift_right_logical3A_13 = arith.shrui %add3A_12, %shift_right_logical3A : i32
      %add3A_14 = arith.constant 3 : i32
      %add3A_15 = arith.addi %scan3A_7, %add3A_14 : i32
      %shift_right_logical3A_16 = arith.constant 2 : i32
      %shift_right_logical3A_17 = arith.shrui %add3A_15, %shift_right_logical3A_16 : i32
      %while3A = arith.constant 0 : i32
      %while3A_18 = arith.constant 0 : i32
      %while3A_19 = arith.subi %shift_right_logical3A_13, %while3A : i32
      %while3A_20 = arith.addi %while3A, %while3A_19 : i32
      %while3A_21 = arith.constant 1 : i32
      %while3A_22 = arith.divsi %while3A_19, %while3A_21 : i32
      %while3A_23 = arith.muli %while3A_22, %while3A_21 : i32
      %while3A_24 = arith.addi %while3A, %while3A_23 : i32
      %while3A_25 = arith.constant 1 : i32
      %while3A_26 = scf.for %while3A_29 = %while3A to %while3A_24 step %while3A_25 iter_args(%while3A_30 = %while3A_18) -> (i32)  : i32 {
        %mul3A_31 = arith.constant 16 : i32
        %mul3A_32 = arith.muli %while3A_29, %mul3A_31 : i32
        %get3A = arith.index_cast %mul3A_32 : i32 to index
        %get3A_33 = tpu.vector_load %arg11[%get3A] {strides = array<i32>} : memref<1040xf32, #tpu.memory_space<vmem>>, vector<16xf32>,
        %get3A_34 = arith.index_cast %mul3A_32 : i32 to index
        %get3A_35 = tpu.vector_load %arg12[%get3A_34] {strides = array<i32>} : memref<1040xf32, #tpu.memory_space<vmem>>, vector<16xf32>,
        %get3A_36 = arith.index_cast %mul3A_32 : i32 to index
        %get3A_37 = tpu.vector_load %arg13[%get3A_36] {strides = array<i32>} : memref<1040xf32, #tpu.memory_space<vmem>>, vector<16xf32>,
        %get3A_38 = arith.index_cast %mul3A_32 : i32 to index
        %get3A_39 = tpu.vector_load %arg14[%get3A_38] {strides = array<i32>} : memref<1040xf32, #tpu.memory_space<vmem>>, vector<16xf32>,
        %get3A_40 = arith.index_cast %mul3A_32 : i32 to index
        %get3A_41 = tpu.vector_load %arg15[%get3A_40] {strides = array<i32>} : memref<1040xf32, #tpu.memory_space<vmem>>, vector<16xf32>,
        %get3A_42 = arith.index_cast %mul3A_32 : i32 to index
        %get3A_43 = tpu.vector_load %arg16[%get3A_42] {strides = array<i32>} : memref<1040xf32, #tpu.memory_space<vmem>>, vector<16xf32>,
        %mul3A_44 = arith.constant 16 : i32
        %mul3A_45 = arith.muli %while3A_29, %mul3A_44 : i32
        %add3A_46 = vector.broadcast %mul3A_45 : i32 to vector<16xi32>
        %add3A_47 = arith.addi %iota3A, %add3A_46 : vector<16xi32>
        %broadcast_in_dim3A_48 = arith.constant false
        %broadcast_in_dim3A_49 = vector.broadcast %broadcast_in_dim3A_48 : i1 to vector<16xi1>
        %while3A_50 = arith.constant 0 : i32
        %while3A_51 = arith.subi %shift_right_logical3A_17, %while3A_50 : i32
        %while3A_52 = arith.addi %while3A_50, %while3A_51 : i32
        %while3A_53 = arith.constant 1 : i32
        %while3A_54 = arith.divsi %while3A_51, %while3A_53 : i32
        %while3A_55 = arith.muli %while3A_54, %while3A_53 : i32
        %while3A_56 = arith.addi %while3A_50, %while3A_55 : i32
        %while3A_57 = arith.constant 1 : i32
        %while3A_58 = scf.for %while3A_67 = %while3A_50 to %while3A_56 step %while3A_57 iter_args(%while3A_68 = %broadcast_in_dim3A_49) -> (vector<16xi1>)  : i32 {
          %mul3A_69 = arith.constant 4 : i32
          %mul3A_70 = arith.muli %while3A_67, %mul3A_69 : i32
          %add3A_71 = arith.constant 0 : i32
          %add3A_72 = arith.addi %mul3A_70, %add3A_71 : i32
          %broadcast_in_dim3A_73 = vector.broadcast %add3A_72 : i32 to vector<16xi32>
          %gather3A = tpu.vector_load_idx %arg11[%broadcast_in_dim3A_73] : memref<1040xf32, #tpu.memory_space<vmem>>[vector<16xi32>], vector<16xf32>,
          %gather3A_74 = tpu.vector_load_idx %arg12[%broadcast_in_dim3A_73] : memref<1040xf32, #tpu.memory_space<vmem>>[vector<16xi32>], vector<16xf32>,
          %gather3A_75 = tpu.vector_load_idx %arg13[%broadcast_in_dim3A_73] : memref<1040xf32, #tpu.memory_space<vmem>>[vector<16xi32>], vector<16xf32>,
          %gather3A_76 = tpu.vector_load_idx %arg14[%broadcast_in_dim3A_73] : memref<1040xf32, #tpu.memory_space<vmem>>[vector<16xi32>], vector<16xf32>,
          %gather3A_77 = tpu.vector_load_idx %arg15[%broadcast_in_dim3A_73] : memref<1040xf32, #tpu.memory_space<vmem>>[vector<16xi32>], vector<16xf32>,
          %gather3A_78 = tpu.vector_load_idx %arg16[%broadcast_in_dim3A_73] : memref<1040xf32, #tpu.memory_space<vmem>>[vector<16xi32>], vector<16xf32>,
          %max3A = arith.maximumf %get3A_33, %gather3A : vector<16xf32>
          %max3A_79 = arith.maximumf %get3A_35, %gather3A_74 : vector<16xf32>
          %min3A = arith.minimumf %get3A_37, %gather3A_75 : vector<16xf32>
          %min3A_80 = arith.minimumf %get3A_39, %gather3A_76 : vector<16xf32>
          %sub3A = arith.subf %min3A, %max3A : vector<16xf32>
          %max3A_81 = arith.constant 0.000000e+00 : f32
          %max3A_82 = vector.broadcast %max3A_81 : f32 to vector<16xf32>
          %max3A_83 = arith.maximumf %sub3A, %max3A_82 : vector<16xf32>
          %sub3A_84 = arith.subf %min3A_80, %max3A_79 : vector<16xf32>
          %max3A_85 = arith.constant 0.000000e+00 : f32
          %max3A_86 = vector.broadcast %max3A_85 : f32 to vector<16xf32>
          %max3A_87 = arith.maximumf %sub3A_84, %max3A_86 : vector<16xf32>
          %mul3A_88 = arith.mulf %max3A_83, %max3A_87 : vector<16xf32>
          %add3A_89 = arith.addf %get3A_41, %gather3A_77 : vector<16xf32>
          %sub3A_90 = arith.subf %add3A_89, %mul3A_88 : vector<16xf32>
          %max3A_91 = arith.constant 9.99999993E-9 : f32
          %max3A_92 = vector.broadcast %max3A_91 : f32 to vector<16xf32>
          %max3A_93 = arith.maximumf %sub3A_90, %max3A_92 : vector<16xf32>
          %div3A = arith.divf %mul3A_88, %max3A_93 : vector<16xf32>
          %gt3A = arith.cmpf ogt, %gather3A_78, %get3A_43 : vector<16xf32>
          %eq3A = arith.cmpf oeq, %gather3A_78, %get3A_43 : vector<16xf32>
          %lt3A_94 = arith.cmpi slt, %broadcast_in_dim3A_73, %add3A_47 : vector<16xi32>
          %and3A = arith.andi %eq3A, %lt3A_94 : vector<16xi1>
          %or3A = arith.ori %gt3A, %and3A : vector<16xi1>
          %gt3A_95 = arith.constant 3.000000e-01 : f32
          %gt3A_96 = vector.broadcast %gt3A_95 : f32 to vector<16xf32>
          %gt3A_97 = arith.cmpf ogt, %div3A, %gt3A_96 : vector<16xf32>
          %and3A_98 = arith.andi %or3A, %gt3A_97 : vector<16xi1>
          %or3A_99 = arith.ori %while3A_68, %and3A_98 : vector<16xi1>
          %mul3A_100 = arith.constant 4 : i32
          %mul3A_101 = arith.muli %while3A_67, %mul3A_100 : i32
          %add3A_102 = arith.constant 1 : i32
          %add3A_103 = arith.addi %mul3A_101, %add3A_102 : i32
          %broadcast_in_dim3A_104 = vector.broadcast %add3A_103 : i32 to vector<16xi32>
          %gather3A_105 = tpu.vector_load_idx %arg11[%broadcast_in_dim3A_104] : memref<1040xf32, #tpu.memory_space<vmem>>[vector<16xi32>], vector<16xf32>,
          %gather3A_106 = tpu.vector_load_idx %arg12[%broadcast_in_dim3A_104] : memref<1040xf32, #tpu.memory_space<vmem>>[vector<16xi32>], vector<16xf32>,
          %gather3A_107 = tpu.vector_load_idx %arg13[%broadcast_in_dim3A_104] : memref<1040xf32, #tpu.memory_space<vmem>>[vector<16xi32>], vector<16xf32>,
          %gather3A_108 = tpu.vector_load_idx %arg14[%broadcast_in_dim3A_104] : memref<1040xf32, #tpu.memory_space<vmem>>[vector<16xi32>], vector<16xf32>,
          %gather3A_109 = tpu.vector_load_idx %arg15[%broadcast_in_dim3A_104] : memref<1040xf32, #tpu.memory_space<vmem>>[vector<16xi32>], vector<16xf32>,
          %gather3A_110 = tpu.vector_load_idx %arg16[%broadcast_in_dim3A_104] : memref<1040xf32, #tpu.memory_space<vmem>>[vector<16xi32>], vector<16xf32>,
          %max3A_111 = arith.maximumf %get3A_33, %gather3A_105 : vector<16xf32>
          %max3A_112 = arith.maximumf %get3A_35, %gather3A_106 : vector<16xf32>
          %min3A_113 = arith.minimumf %get3A_37, %gather3A_107 : vector<16xf32>
          %min3A_114 = arith.minimumf %get3A_39, %gather3A_108 : vector<16xf32>
          %sub3A_115 = arith.subf %min3A_113, %max3A_111 : vector<16xf32>
          %max3A_116 = arith.constant 0.000000e+00 : f32
          %max3A_117 = vector.broadcast %max3A_116 : f32 to vector<16xf32>
          %max3A_118 = arith.maximumf %sub3A_115, %max3A_117 : vector<16xf32>
          %sub3A_119 = arith.subf %min3A_114, %max3A_112 : vector<16xf32>
          %max3A_120 = arith.constant 0.000000e+00 : f32
          %max3A_121 = vector.broadcast %max3A_120 : f32 to vector<16xf32>
          %max3A_122 = arith.maximumf %sub3A_119, %max3A_121 : vector<16xf32>
          %mul3A_123 = arith.mulf %max3A_118, %max3A_122 : vector<16xf32>
          %add3A_124 = arith.addf %get3A_41, %gather3A_109 : vector<16xf32>
          %sub3A_125 = arith.subf %add3A_124, %mul3A_123 : vector<16xf32>
          %max3A_126 = arith.constant 9.99999993E-9 : f32
          %max3A_127 = vector.broadcast %max3A_126 : f32 to vector<16xf32>
          %max3A_128 = arith.maximumf %sub3A_125, %max3A_127 : vector<16xf32>
          %div3A_129 = arith.divf %mul3A_123, %max3A_128 : vector<16xf32>
          %gt3A_130 = arith.cmpf ogt, %gather3A_110, %get3A_43 : vector<16xf32>
          %eq3A_131 = arith.cmpf oeq, %gather3A_110, %get3A_43 : vector<16xf32>
          %lt3A_132 = arith.cmpi slt, %broadcast_in_dim3A_104, %add3A_47 : vector<16xi32>
          %and3A_133 = arith.andi %eq3A_131, %lt3A_132 : vector<16xi1>
          %or3A_134 = arith.ori %gt3A_130, %and3A_133 : vector<16xi1>
          %gt3A_135 = arith.constant 3.000000e-01 : f32
          %gt3A_136 = vector.broadcast %gt3A_135 : f32 to vector<16xf32>
          %gt3A_137 = arith.cmpf ogt, %div3A_129, %gt3A_136 : vector<16xf32>
          %and3A_138 = arith.andi %or3A_134, %gt3A_137 : vector<16xi1>
          %or3A_139 = arith.ori %or3A_99, %and3A_138 : vector<16xi1>
          %mul3A_140 = arith.constant 4 : i32
          %mul3A_141 = arith.muli %while3A_67, %mul3A_140 : i32
          %add3A_142 = arith.constant 2 : i32
          %add3A_143 = arith.addi %mul3A_141, %add3A_142 : i32
          %broadcast_in_dim3A_144 = vector.broadcast %add3A_143 : i32 to vector<16xi32>
          %gather3A_145 = tpu.vector_load_idx %arg11[%broadcast_in_dim3A_144] : memref<1040xf32, #tpu.memory_space<vmem>>[vector<16xi32>], vector<16xf32>,
          %gather3A_146 = tpu.vector_load_idx %arg12[%broadcast_in_dim3A_144] : memref<1040xf32, #tpu.memory_space<vmem>>[vector<16xi32>], vector<16xf32>,
          %gather3A_147 = tpu.vector_load_idx %arg13[%broadcast_in_dim3A_144] : memref<1040xf32, #tpu.memory_space<vmem>>[vector<16xi32>], vector<16xf32>,
          %gather3A_148 = tpu.vector_load_idx %arg14[%broadcast_in_dim3A_144] : memref<1040xf32, #tpu.memory_space<vmem>>[vector<16xi32>], vector<16xf32>,
          %gather3A_149 = tpu.vector_load_idx %arg15[%broadcast_in_dim3A_144] : memref<1040xf32, #tpu.memory_space<vmem>>[vector<16xi32>], vector<16xf32>,
          %gather3A_150 = tpu.vector_load_idx %arg16[%broadcast_in_dim3A_144] : memref<1040xf32, #tpu.memory_space<vmem>>[vector<16xi32>], vector<16xf32>,
          %max3A_151 = arith.maximumf %get3A_33, %gather3A_145 : vector<16xf32>
          %max3A_152 = arith.maximumf %get3A_35, %gather3A_146 : vector<16xf32>
          %min3A_153 = arith.minimumf %get3A_37, %gather3A_147 : vector<16xf32>
          %min3A_154 = arith.minimumf %get3A_39, %gather3A_148 : vector<16xf32>
          %sub3A_155 = arith.subf %min3A_153, %max3A_151 : vector<16xf32>
          %max3A_156 = arith.constant 0.000000e+00 : f32
          %max3A_157 = vector.broadcast %max3A_156 : f32 to vector<16xf32>
          %max3A_158 = arith.maximumf %sub3A_155, %max3A_157 : vector<16xf32>
          %sub3A_159 = arith.subf %min3A_154, %max3A_152 : vector<16xf32>
          %max3A_160 = arith.constant 0.000000e+00 : f32
          %max3A_161 = vector.broadcast %max3A_160 : f32 to vector<16xf32>
          %max3A_162 = arith.maximumf %sub3A_159, %max3A_161 : vector<16xf32>
          %mul3A_163 = arith.mulf %max3A_158, %max3A_162 : vector<16xf32>
          %add3A_164 = arith.addf %get3A_41, %gather3A_149 : vector<16xf32>
          %sub3A_165 = arith.subf %add3A_164, %mul3A_163 : vector<16xf32>
          %max3A_166 = arith.constant 9.99999993E-9 : f32
          %max3A_167 = vector.broadcast %max3A_166 : f32 to vector<16xf32>
          %max3A_168 = arith.maximumf %sub3A_165, %max3A_167 : vector<16xf32>
          %div3A_169 = arith.divf %mul3A_163, %max3A_168 : vector<16xf32>
          %gt3A_170 = arith.cmpf ogt, %gather3A_150, %get3A_43 : vector<16xf32>
          %eq3A_171 = arith.cmpf oeq, %gather3A_150, %get3A_43 : vector<16xf32>
          %lt3A_172 = arith.cmpi slt, %broadcast_in_dim3A_144, %add3A_47 : vector<16xi32>
          %and3A_173 = arith.andi %eq3A_171, %lt3A_172 : vector<16xi1>
          %or3A_174 = arith.ori %gt3A_170, %and3A_173 : vector<16xi1>
          %gt3A_175 = arith.constant 3.000000e-01 : f32
          %gt3A_176 = vector.broadcast %gt3A_175 : f32 to vector<16xf32>
          %gt3A_177 = arith.cmpf ogt, %div3A_169, %gt3A_176 : vector<16xf32>
          %and3A_178 = arith.andi %or3A_174, %gt3A_177 : vector<16xi1>
          %or3A_179 = arith.ori %or3A_139, %and3A_178 : vector<16xi1>
          %mul3A_180 = arith.constant 4 : i32
          %mul3A_181 = arith.muli %while3A_67, %mul3A_180 : i32
          %add3A_182 = arith.constant 3 : i32
          %add3A_183 = arith.addi %mul3A_181, %add3A_182 : i32
          %broadcast_in_dim3A_184 = vector.broadcast %add3A_183 : i32 to vector<16xi32>
          %gather3A_185 = tpu.vector_load_idx %arg11[%broadcast_in_dim3A_184] : memref<1040xf32, #tpu.memory_space<vmem>>[vector<16xi32>], vector<16xf32>,
          %gather3A_186 = tpu.vector_load_idx %arg12[%broadcast_in_dim3A_184] : memref<1040xf32, #tpu.memory_space<vmem>>[vector<16xi32>], vector<16xf32>,
          %gather3A_187 = tpu.vector_load_idx %arg13[%broadcast_in_dim3A_184] : memref<1040xf32, #tpu.memory_space<vmem>>[vector<16xi32>], vector<16xf32>,
          %gather3A_188 = tpu.vector_load_idx %arg14[%broadcast_in_dim3A_184] : memref<1040xf32, #tpu.memory_space<vmem>>[vector<16xi32>], vector<16xf32>,
          %gather3A_189 = tpu.vector_load_idx %arg15[%broadcast_in_dim3A_184] : memref<1040xf32, #tpu.memory_space<vmem>>[vector<16xi32>], vector<16xf32>,
          %gather3A_190 = tpu.vector_load_idx %arg16[%broadcast_in_dim3A_184] : memref<1040xf32, #tpu.memory_space<vmem>>[vector<16xi32>], vector<16xf32>,
          %max3A_191 = arith.maximumf %get3A_33, %gather3A_185 : vector<16xf32>
          %max3A_192 = arith.maximumf %get3A_35, %gather3A_186 : vector<16xf32>
          %min3A_193 = arith.minimumf %get3A_37, %gather3A_187 : vector<16xf32>
          %min3A_194 = arith.minimumf %get3A_39, %gather3A_188 : vector<16xf32>
          %sub3A_195 = arith.subf %min3A_193, %max3A_191 : vector<16xf32>
          %max3A_196 = arith.constant 0.000000e+00 : f32
          %max3A_197 = vector.broadcast %max3A_196 : f32 to vector<16xf32>
          %max3A_198 = arith.maximumf %sub3A_195, %max3A_197 : vector<16xf32>
          %sub3A_199 = arith.subf %min3A_194, %max3A_192 : vector<16xf32>
          %max3A_200 = arith.constant 0.000000e+00 : f32
          %max3A_201 = vector.broadcast %max3A_200 : f32 to vector<16xf32>
          %max3A_202 = arith.maximumf %sub3A_199, %max3A_201 : vector<16xf32>
          %mul3A_203 = arith.mulf %max3A_198, %max3A_202 : vector<16xf32>
          %add3A_204 = arith.addf %get3A_41, %gather3A_189 : vector<16xf32>
          %sub3A_205 = arith.subf %add3A_204, %mul3A_203 : vector<16xf32>
          %max3A_206 = arith.constant 9.99999993E-9 : f32
          %max3A_207 = vector.broadcast %max3A_206 : f32 to vector<16xf32>
          %max3A_208 = arith.maximumf %sub3A_205, %max3A_207 : vector<16xf32>
          %div3A_209 = arith.divf %mul3A_203, %max3A_208 : vector<16xf32>
          %gt3A_210 = arith.cmpf ogt, %gather3A_190, %get3A_43 : vector<16xf32>
          %eq3A_211 = arith.cmpf oeq, %gather3A_190, %get3A_43 : vector<16xf32>
          %lt3A_212 = arith.cmpi slt, %broadcast_in_dim3A_184, %add3A_47 : vector<16xi32>
          %and3A_213 = arith.andi %eq3A_211, %lt3A_212 : vector<16xi1>
          %or3A_214 = arith.ori %gt3A_210, %and3A_213 : vector<16xi1>
          %gt3A_215 = arith.constant 3.000000e-01 : f32
          %gt3A_216 = vector.broadcast %gt3A_215 : f32 to vector<16xf32>
          %gt3A_217 = arith.cmpf ogt, %div3A_209, %gt3A_216 : vector<16xf32>
          %and3A_218 = arith.andi %or3A_214, %gt3A_217 : vector<16xi1>
          %or3A_219 = arith.ori %or3A_179, %and3A_218 : vector<16xi1>
          scf.yield %or3A_219 : vector<16xi1>
        }
        %while3A_59 = arith.constant 1 : i32
        %while3A_60 = scf.for %while3A_67 = %while3A_56 to %while3A_52 step %while3A_59 iter_args(%while3A_68 = %while3A_58) -> (vector<16xi1>)  : i32 {
          %mul3A_69 = arith.constant 4 : i32
          %mul3A_70 = arith.muli %while3A_67, %mul3A_69 : i32
          %add3A_71 = arith.constant 0 : i32
          %add3A_72 = arith.addi %mul3A_70, %add3A_71 : i32
          %broadcast_in_dim3A_73 = vector.broadcast %add3A_72 : i32 to vector<16xi32>
          %gather3A = tpu.vector_load_idx %arg11[%broadcast_in_dim3A_73] : memref<1040xf32, #tpu.memory_space<vmem>>[vector<16xi32>], vector<16xf32>,
          %gather3A_74 = tpu.vector_load_idx %arg12[%broadcast_in_dim3A_73] : memref<1040xf32, #tpu.memory_space<vmem>>[vector<16xi32>], vector<16xf32>,
          %gather3A_75 = tpu.vector_load_idx %arg13[%broadcast_in_dim3A_73] : memref<1040xf32, #tpu.memory_space<vmem>>[vector<16xi32>], vector<16xf32>,
          %gather3A_76 = tpu.vector_load_idx %arg14[%broadcast_in_dim3A_73] : memref<1040xf32, #tpu.memory_space<vmem>>[vector<16xi32>], vector<16xf32>,
          %gather3A_77 = tpu.vector_load_idx %arg15[%broadcast_in_dim3A_73] : memref<1040xf32, #tpu.memory_space<vmem>>[vector<16xi32>], vector<16xf32>,
          %gather3A_78 = tpu.vector_load_idx %arg16[%broadcast_in_dim3A_73] : memref<1040xf32, #tpu.memory_space<vmem>>[vector<16xi32>], vector<16xf32>,
          %max3A = arith.maximumf %get3A_33, %gather3A : vector<16xf32>
          %max3A_79 = arith.maximumf %get3A_35, %gather3A_74 : vector<16xf32>
          %min3A = arith.minimumf %get3A_37, %gather3A_75 : vector<16xf32>
          %min3A_80 = arith.minimumf %get3A_39, %gather3A_76 : vector<16xf32>
          %sub3A = arith.subf %min3A, %max3A : vector<16xf32>
          %max3A_81 = arith.constant 0.000000e+00 : f32
          %max3A_82 = vector.broadcast %max3A_81 : f32 to vector<16xf32>
          %max3A_83 = arith.maximumf %sub3A, %max3A_82 : vector<16xf32>
          %sub3A_84 = arith.subf %min3A_80, %max3A_79 : vector<16xf32>
          %max3A_85 = arith.constant 0.000000e+00 : f32
          %max3A_86 = vector.broadcast %max3A_85 : f32 to vector<16xf32>
          %max3A_87 = arith.maximumf %sub3A_84, %max3A_86 : vector<16xf32>
          %mul3A_88 = arith.mulf %max3A_83, %max3A_87 : vector<16xf32>
          %add3A_89 = arith.addf %get3A_41, %gather3A_77 : vector<16xf32>
          %sub3A_90 = arith.subf %add3A_89, %mul3A_88 : vector<16xf32>
          %max3A_91 = arith.constant 9.99999993E-9 : f32
          %max3A_92 = vector.broadcast %max3A_91 : f32 to vector<16xf32>
          %max3A_93 = arith.maximumf %sub3A_90, %max3A_92 : vector<16xf32>
          %div3A = arith.divf %mul3A_88, %max3A_93 : vector<16xf32>
          %gt3A = arith.cmpf ogt, %gather3A_78, %get3A_43 : vector<16xf32>
          %eq3A = arith.cmpf oeq, %gather3A_78, %get3A_43 : vector<16xf32>
          %lt3A_94 = arith.cmpi slt, %broadcast_in_dim3A_73, %add3A_47 : vector<16xi32>
          %and3A = arith.andi %eq3A, %lt3A_94 : vector<16xi1>
          %or3A = arith.ori %gt3A, %and3A : vector<16xi1>
          %gt3A_95 = arith.constant 3.000000e-01 : f32
          %gt3A_96 = vector.broadcast %gt3A_95 : f32 to vector<16xf32>
          %gt3A_97 = arith.cmpf ogt, %div3A, %gt3A_96 : vector<16xf32>
          %and3A_98 = arith.andi %or3A, %gt3A_97 : vector<16xi1>
          %or3A_99 = arith.ori %while3A_68, %and3A_98 : vector<16xi1>
          %mul3A_100 = arith.constant 4 : i32
          %mul3A_101 = arith.muli %while3A_67, %mul3A_100 : i32
          %add3A_102 = arith.constant 1 : i32
          %add3A_103 = arith.addi %mul3A_101, %add3A_102 : i32
          %broadcast_in_dim3A_104 = vector.broadcast %add3A_103 : i32 to vector<16xi32>
          %gather3A_105 = tpu.vector_load_idx %arg11[%broadcast_in_dim3A_104] : memref<1040xf32, #tpu.memory_space<vmem>>[vector<16xi32>], vector<16xf32>,
          %gather3A_106 = tpu.vector_load_idx %arg12[%broadcast_in_dim3A_104] : memref<1040xf32, #tpu.memory_space<vmem>>[vector<16xi32>], vector<16xf32>,
          %gather3A_107 = tpu.vector_load_idx %arg13[%broadcast_in_dim3A_104] : memref<1040xf32, #tpu.memory_space<vmem>>[vector<16xi32>], vector<16xf32>,
          %gather3A_108 = tpu.vector_load_idx %arg14[%broadcast_in_dim3A_104] : memref<1040xf32, #tpu.memory_space<vmem>>[vector<16xi32>], vector<16xf32>,
          %gather3A_109 = tpu.vector_load_idx %arg15[%broadcast_in_dim3A_104] : memref<1040xf32, #tpu.memory_space<vmem>>[vector<16xi32>], vector<16xf32>,
          %gather3A_110 = tpu.vector_load_idx %arg16[%broadcast_in_dim3A_104] : memref<1040xf32, #tpu.memory_space<vmem>>[vector<16xi32>], vector<16xf32>,
          %max3A_111 = arith.maximumf %get3A_33, %gather3A_105 : vector<16xf32>
          %max3A_112 = arith.maximumf %get3A_35, %gather3A_106 : vector<16xf32>
          %min3A_113 = arith.minimumf %get3A_37, %gather3A_107 : vector<16xf32>
          %min3A_114 = arith.minimumf %get3A_39, %gather3A_108 : vector<16xf32>
          %sub3A_115 = arith.subf %min3A_113, %max3A_111 : vector<16xf32>
          %max3A_116 = arith.constant 0.000000e+00 : f32
          %max3A_117 = vector.broadcast %max3A_116 : f32 to vector<16xf32>
          %max3A_118 = arith.maximumf %sub3A_115, %max3A_117 : vector<16xf32>
          %sub3A_119 = arith.subf %min3A_114, %max3A_112 : vector<16xf32>
          %max3A_120 = arith.constant 0.000000e+00 : f32
          %max3A_121 = vector.broadcast %max3A_120 : f32 to vector<16xf32>
          %max3A_122 = arith.maximumf %sub3A_119, %max3A_121 : vector<16xf32>
          %mul3A_123 = arith.mulf %max3A_118, %max3A_122 : vector<16xf32>
          %add3A_124 = arith.addf %get3A_41, %gather3A_109 : vector<16xf32>
          %sub3A_125 = arith.subf %add3A_124, %mul3A_123 : vector<16xf32>
          %max3A_126 = arith.constant 9.99999993E-9 : f32
          %max3A_127 = vector.broadcast %max3A_126 : f32 to vector<16xf32>
          %max3A_128 = arith.maximumf %sub3A_125, %max3A_127 : vector<16xf32>
          %div3A_129 = arith.divf %mul3A_123, %max3A_128 : vector<16xf32>
          %gt3A_130 = arith.cmpf ogt, %gather3A_110, %get3A_43 : vector<16xf32>
          %eq3A_131 = arith.cmpf oeq, %gather3A_110, %get3A_43 : vector<16xf32>
          %lt3A_132 = arith.cmpi slt, %broadcast_in_dim3A_104, %add3A_47 : vector<16xi32>
          %and3A_133 = arith.andi %eq3A_131, %lt3A_132 : vector<16xi1>
          %or3A_134 = arith.ori %gt3A_130, %and3A_133 : vector<16xi1>
          %gt3A_135 = arith.constant 3.000000e-01 : f32
          %gt3A_136 = vector.broadcast %gt3A_135 : f32 to vector<16xf32>
          %gt3A_137 = arith.cmpf ogt, %div3A_129, %gt3A_136 : vector<16xf32>
          %and3A_138 = arith.andi %or3A_134, %gt3A_137 : vector<16xi1>
          %or3A_139 = arith.ori %or3A_99, %and3A_138 : vector<16xi1>
          %mul3A_140 = arith.constant 4 : i32
          %mul3A_141 = arith.muli %while3A_67, %mul3A_140 : i32
          %add3A_142 = arith.constant 2 : i32
          %add3A_143 = arith.addi %mul3A_141, %add3A_142 : i32
          %broadcast_in_dim3A_144 = vector.broadcast %add3A_143 : i32 to vector<16xi32>
          %gather3A_145 = tpu.vector_load_idx %arg11[%broadcast_in_dim3A_144] : memref<1040xf32, #tpu.memory_space<vmem>>[vector<16xi32>], vector<16xf32>,
          %gather3A_146 = tpu.vector_load_idx %arg12[%broadcast_in_dim3A_144] : memref<1040xf32, #tpu.memory_space<vmem>>[vector<16xi32>], vector<16xf32>,
          %gather3A_147 = tpu.vector_load_idx %arg13[%broadcast_in_dim3A_144] : memref<1040xf32, #tpu.memory_space<vmem>>[vector<16xi32>], vector<16xf32>,
          %gather3A_148 = tpu.vector_load_idx %arg14[%broadcast_in_dim3A_144] : memref<1040xf32, #tpu.memory_space<vmem>>[vector<16xi32>], vector<16xf32>,
          %gather3A_149 = tpu.vector_load_idx %arg15[%broadcast_in_dim3A_144] : memref<1040xf32, #tpu.memory_space<vmem>>[vector<16xi32>], vector<16xf32>,
          %gather3A_150 = tpu.vector_load_idx %arg16[%broadcast_in_dim3A_144] : memref<1040xf32, #tpu.memory_space<vmem>>[vector<16xi32>], vector<16xf32>,
          %max3A_151 = arith.maximumf %get3A_33, %gather3A_145 : vector<16xf32>
          %max3A_152 = arith.maximumf %get3A_35, %gather3A_146 : vector<16xf32>
          %min3A_153 = arith.minimumf %get3A_37, %gather3A_147 : vector<16xf32>
          %min3A_154 = arith.minimumf %get3A_39, %gather3A_148 : vector<16xf32>
          %sub3A_155 = arith.subf %min3A_153, %max3A_151 : vector<16xf32>
          %max3A_156 = arith.constant 0.000000e+00 : f32
          %max3A_157 = vector.broadcast %max3A_156 : f32 to vector<16xf32>
          %max3A_158 = arith.maximumf %sub3A_155, %max3A_157 : vector<16xf32>
          %sub3A_159 = arith.subf %min3A_154, %max3A_152 : vector<16xf32>
          %max3A_160 = arith.constant 0.000000e+00 : f32
          %max3A_161 = vector.broadcast %max3A_160 : f32 to vector<16xf32>
          %max3A_162 = arith.maximumf %sub3A_159, %max3A_161 : vector<16xf32>
          %mul3A_163 = arith.mulf %max3A_158, %max3A_162 : vector<16xf32>
          %add3A_164 = arith.addf %get3A_41, %gather3A_149 : vector<16xf32>
          %sub3A_165 = arith.subf %add3A_164, %mul3A_163 : vector<16xf32>
          %max3A_166 = arith.constant 9.99999993E-9 : f32
          %max3A_167 = vector.broadcast %max3A_166 : f32 to vector<16xf32>
          %max3A_168 = arith.maximumf %sub3A_165, %max3A_167 : vector<16xf32>
          %div3A_169 = arith.divf %mul3A_163, %max3A_168 : vector<16xf32>
          %gt3A_170 = arith.cmpf ogt, %gather3A_150, %get3A_43 : vector<16xf32>
          %eq3A_171 = arith.cmpf oeq, %gather3A_150, %get3A_43 : vector<16xf32>
          %lt3A_172 = arith.cmpi slt, %broadcast_in_dim3A_144, %add3A_47 : vector<16xi32>
          %and3A_173 = arith.andi %eq3A_171, %lt3A_172 : vector<16xi1>
          %or3A_174 = arith.ori %gt3A_170, %and3A_173 : vector<16xi1>
          %gt3A_175 = arith.constant 3.000000e-01 : f32
          %gt3A_176 = vector.broadcast %gt3A_175 : f32 to vector<16xf32>
          %gt3A_177 = arith.cmpf ogt, %div3A_169, %gt3A_176 : vector<16xf32>
          %and3A_178 = arith.andi %or3A_174, %gt3A_177 : vector<16xi1>
          %or3A_179 = arith.ori %or3A_139, %and3A_178 : vector<16xi1>
          %mul3A_180 = arith.constant 4 : i32
          %mul3A_181 = arith.muli %while3A_67, %mul3A_180 : i32
          %add3A_182 = arith.constant 3 : i32
          %add3A_183 = arith.addi %mul3A_181, %add3A_182 : i32
          %broadcast_in_dim3A_184 = vector.broadcast %add3A_183 : i32 to vector<16xi32>
          %gather3A_185 = tpu.vector_load_idx %arg11[%broadcast_in_dim3A_184] : memref<1040xf32, #tpu.memory_space<vmem>>[vector<16xi32>], vector<16xf32>,
          %gather3A_186 = tpu.vector_load_idx %arg12[%broadcast_in_dim3A_184] : memref<1040xf32, #tpu.memory_space<vmem>>[vector<16xi32>], vector<16xf32>,
          %gather3A_187 = tpu.vector_load_idx %arg13[%broadcast_in_dim3A_184] : memref<1040xf32, #tpu.memory_space<vmem>>[vector<16xi32>], vector<16xf32>,
          %gather3A_188 = tpu.vector_load_idx %arg14[%broadcast_in_dim3A_184] : memref<1040xf32, #tpu.memory_space<vmem>>[vector<16xi32>], vector<16xf32>,
          %gather3A_189 = tpu.vector_load_idx %arg15[%broadcast_in_dim3A_184] : memref<1040xf32, #tpu.memory_space<vmem>>[vector<16xi32>], vector<16xf32>,
          %gather3A_190 = tpu.vector_load_idx %arg16[%broadcast_in_dim3A_184] : memref<1040xf32, #tpu.memory_space<vmem>>[vector<16xi32>], vector<16xf32>,
          %max3A_191 = arith.maximumf %get3A_33, %gather3A_185 : vector<16xf32>
          %max3A_192 = arith.maximumf %get3A_35, %gather3A_186 : vector<16xf32>
          %min3A_193 = arith.minimumf %get3A_37, %gather3A_187 : vector<16xf32>
          %min3A_194 = arith.minimumf %get3A_39, %gather3A_188 : vector<16xf32>
          %sub3A_195 = arith.subf %min3A_193, %max3A_191 : vector<16xf32>
          %max3A_196 = arith.constant 0.000000e+00 : f32
          %max3A_197 = vector.broadcast %max3A_196 : f32 to vector<16xf32>
          %max3A_198 = arith.maximumf %sub3A_195, %max3A_197 : vector<16xf32>
          %sub3A_199 = arith.subf %min3A_194, %max3A_192 : vector<16xf32>
          %max3A_200 = arith.constant 0.000000e+00 : f32
          %max3A_201 = vector.broadcast %max3A_200 : f32 to vector<16xf32>
          %max3A_202 = arith.maximumf %sub3A_199, %max3A_201 : vector<16xf32>
          %mul3A_203 = arith.mulf %max3A_198, %max3A_202 : vector<16xf32>
          %add3A_204 = arith.addf %get3A_41, %gather3A_189 : vector<16xf32>
          %sub3A_205 = arith.subf %add3A_204, %mul3A_203 : vector<16xf32>
          %max3A_206 = arith.constant 9.99999993E-9 : f32
          %max3A_207 = vector.broadcast %max3A_206 : f32 to vector<16xf32>
          %max3A_208 = arith.maximumf %sub3A_205, %max3A_207 : vector<16xf32>
          %div3A_209 = arith.divf %mul3A_203, %max3A_208 : vector<16xf32>
          %gt3A_210 = arith.cmpf ogt, %gather3A_190, %get3A_43 : vector<16xf32>
          %eq3A_211 = arith.cmpf oeq, %gather3A_190, %get3A_43 : vector<16xf32>
          %lt3A_212 = arith.cmpi slt, %broadcast_in_dim3A_184, %add3A_47 : vector<16xi32>
          %and3A_213 = arith.andi %eq3A_211, %lt3A_212 : vector<16xi1>
          %or3A_214 = arith.ori %gt3A_210, %and3A_213 : vector<16xi1>
          %gt3A_215 = arith.constant 3.000000e-01 : f32
          %gt3A_216 = vector.broadcast %gt3A_215 : f32 to vector<16xf32>
          %gt3A_217 = arith.cmpf ogt, %div3A_209, %gt3A_216 : vector<16xf32>
          %and3A_218 = arith.andi %or3A_214, %gt3A_217 : vector<16xi1>
          %or3A_219 = arith.ori %or3A_179, %and3A_218 : vector<16xi1>
          scf.yield %or3A_219 : vector<16xi1>
        }
        %jit3A = arith.constant 0.000000e+00 : f32
        %broadcast_in_dim3A_61 = vector.broadcast %jit3A : f32 to vector<16xf32>
        %select_n3A = arith.select %while3A_60, %broadcast_in_dim3A_61, %get3A_43 : vector<16xi1>, vector<16xf32>
        %lt3A_62 = vector.broadcast %scan3A_7 : i32 to vector<16xi32>
        %lt3A_63 = arith.cmpi slt, %add3A_47, %lt3A_62 : vector<16xi32>
        %get3A_64 = arith.index_cast %mul3A_32 : i32 to index
        %get3A_65 = tpu.vector_load %arg17[%get3A_64] {strides = array<i32>} : memref<1040xi32, #tpu.memory_space<vmem>>, vector<16xi32>,
        tpu.vector_store_idx %arg18[%get3A_65], %select_n3A masked %lt3A_63 : memref<1024xf32, #tpu.memory_space<vmem>>[vector<16xi32>], vector<16xf32>, vector<16xi1>
        %while3A_66 = arith.constant 0 : i32
        scf.yield %while3A_66 : i32
      }
      %while3A_27 = arith.constant 1 : i32
      %while3A_28 = scf.for %while3A_29 = %while3A_24 to %while3A_20 step %while3A_27 iter_args(%while3A_30 = %while3A_26) -> (i32)  : i32 {
        %mul3A_31 = arith.constant 16 : i32
        %mul3A_32 = arith.muli %while3A_29, %mul3A_31 : i32
        %get3A = arith.index_cast %mul3A_32 : i32 to index
        %get3A_33 = tpu.vector_load %arg11[%get3A] {strides = array<i32>} : memref<1040xf32, #tpu.memory_space<vmem>>, vector<16xf32>,
        %get3A_34 = arith.index_cast %mul3A_32 : i32 to index
        %get3A_35 = tpu.vector_load %arg12[%get3A_34] {strides = array<i32>} : memref<1040xf32, #tpu.memory_space<vmem>>, vector<16xf32>,
        %get3A_36 = arith.index_cast %mul3A_32 : i32 to index
        %get3A_37 = tpu.vector_load %arg13[%get3A_36] {strides = array<i32>} : memref<1040xf32, #tpu.memory_space<vmem>>, vector<16xf32>,
        %get3A_38 = arith.index_cast %mul3A_32 : i32 to index
        %get3A_39 = tpu.vector_load %arg14[%get3A_38] {strides = array<i32>} : memref<1040xf32, #tpu.memory_space<vmem>>, vector<16xf32>,
        %get3A_40 = arith.index_cast %mul3A_32 : i32 to index
        %get3A_41 = tpu.vector_load %arg15[%get3A_40] {strides = array<i32>} : memref<1040xf32, #tpu.memory_space<vmem>>, vector<16xf32>,
        %get3A_42 = arith.index_cast %mul3A_32 : i32 to index
        %get3A_43 = tpu.vector_load %arg16[%get3A_42] {strides = array<i32>} : memref<1040xf32, #tpu.memory_space<vmem>>, vector<16xf32>,
        %mul3A_44 = arith.constant 16 : i32
        %mul3A_45 = arith.muli %while3A_29, %mul3A_44 : i32
        %add3A_46 = vector.broadcast %mul3A_45 : i32 to vector<16xi32>
        %add3A_47 = arith.addi %iota3A, %add3A_46 : vector<16xi32>
        %broadcast_in_dim3A_48 = arith.constant false
        %broadcast_in_dim3A_49 = vector.broadcast %broadcast_in_dim3A_48 : i1 to vector<16xi1>
        %while3A_50 = arith.constant 0 : i32
        %while3A_51 = arith.subi %shift_right_logical3A_17, %while3A_50 : i32
        %while3A_52 = arith.addi %while3A_50, %while3A_51 : i32
        %while3A_53 = arith.constant 1 : i32
        %while3A_54 = arith.divsi %while3A_51, %while3A_53 : i32
        %while3A_55 = arith.muli %while3A_54, %while3A_53 : i32
        %while3A_56 = arith.addi %while3A_50, %while3A_55 : i32
        %while3A_57 = arith.constant 1 : i32
        %while3A_58 = scf.for %while3A_67 = %while3A_50 to %while3A_56 step %while3A_57 iter_args(%while3A_68 = %broadcast_in_dim3A_49) -> (vector<16xi1>)  : i32 {
          %mul3A_69 = arith.constant 4 : i32
          %mul3A_70 = arith.muli %while3A_67, %mul3A_69 : i32
          %add3A_71 = arith.constant 0 : i32
          %add3A_72 = arith.addi %mul3A_70, %add3A_71 : i32
          %broadcast_in_dim3A_73 = vector.broadcast %add3A_72 : i32 to vector<16xi32>
          %gather3A = tpu.vector_load_idx %arg11[%broadcast_in_dim3A_73] : memref<1040xf32, #tpu.memory_space<vmem>>[vector<16xi32>], vector<16xf32>,
          %gather3A_74 = tpu.vector_load_idx %arg12[%broadcast_in_dim3A_73] : memref<1040xf32, #tpu.memory_space<vmem>>[vector<16xi32>], vector<16xf32>,
          %gather3A_75 = tpu.vector_load_idx %arg13[%broadcast_in_dim3A_73] : memref<1040xf32, #tpu.memory_space<vmem>>[vector<16xi32>], vector<16xf32>,
          %gather3A_76 = tpu.vector_load_idx %arg14[%broadcast_in_dim3A_73] : memref<1040xf32, #tpu.memory_space<vmem>>[vector<16xi32>], vector<16xf32>,
          %gather3A_77 = tpu.vector_load_idx %arg15[%broadcast_in_dim3A_73] : memref<1040xf32, #tpu.memory_space<vmem>>[vector<16xi32>], vector<16xf32>,
          %gather3A_78 = tpu.vector_load_idx %arg16[%broadcast_in_dim3A_73] : memref<1040xf32, #tpu.memory_space<vmem>>[vector<16xi32>], vector<16xf32>,
          %max3A = arith.maximumf %get3A_33, %gather3A : vector<16xf32>
          %max3A_79 = arith.maximumf %get3A_35, %gather3A_74 : vector<16xf32>
          %min3A = arith.minimumf %get3A_37, %gather3A_75 : vector<16xf32>
          %min3A_80 = arith.minimumf %get3A_39, %gather3A_76 : vector<16xf32>
          %sub3A = arith.subf %min3A, %max3A : vector<16xf32>
          %max3A_81 = arith.constant 0.000000e+00 : f32
          %max3A_82 = vector.broadcast %max3A_81 : f32 to vector<16xf32>
          %max3A_83 = arith.maximumf %sub3A, %max3A_82 : vector<16xf32>
          %sub3A_84 = arith.subf %min3A_80, %max3A_79 : vector<16xf32>
          %max3A_85 = arith.constant 0.000000e+00 : f32
          %max3A_86 = vector.broadcast %max3A_85 : f32 to vector<16xf32>
          %max3A_87 = arith.maximumf %sub3A_84, %max3A_86 : vector<16xf32>
          %mul3A_88 = arith.mulf %max3A_83, %max3A_87 : vector<16xf32>
          %add3A_89 = arith.addf %get3A_41, %gather3A_77 : vector<16xf32>
          %sub3A_90 = arith.subf %add3A_89, %mul3A_88 : vector<16xf32>
          %max3A_91 = arith.constant 9.99999993E-9 : f32
          %max3A_92 = vector.broadcast %max3A_91 : f32 to vector<16xf32>
          %max3A_93 = arith.maximumf %sub3A_90, %max3A_92 : vector<16xf32>
          %div3A = arith.divf %mul3A_88, %max3A_93 : vector<16xf32>
          %gt3A = arith.cmpf ogt, %gather3A_78, %get3A_43 : vector<16xf32>
          %eq3A = arith.cmpf oeq, %gather3A_78, %get3A_43 : vector<16xf32>
          %lt3A_94 = arith.cmpi slt, %broadcast_in_dim3A_73, %add3A_47 : vector<16xi32>
          %and3A = arith.andi %eq3A, %lt3A_94 : vector<16xi1>
          %or3A = arith.ori %gt3A, %and3A : vector<16xi1>
          %gt3A_95 = arith.constant 3.000000e-01 : f32
          %gt3A_96 = vector.broadcast %gt3A_95 : f32 to vector<16xf32>
          %gt3A_97 = arith.cmpf ogt, %div3A, %gt3A_96 : vector<16xf32>
          %and3A_98 = arith.andi %or3A, %gt3A_97 : vector<16xi1>
          %or3A_99 = arith.ori %while3A_68, %and3A_98 : vector<16xi1>
          %mul3A_100 = arith.constant 4 : i32
          %mul3A_101 = arith.muli %while3A_67, %mul3A_100 : i32
          %add3A_102 = arith.constant 1 : i32
          %add3A_103 = arith.addi %mul3A_101, %add3A_102 : i32
          %broadcast_in_dim3A_104 = vector.broadcast %add3A_103 : i32 to vector<16xi32>
          %gather3A_105 = tpu.vector_load_idx %arg11[%broadcast_in_dim3A_104] : memref<1040xf32, #tpu.memory_space<vmem>>[vector<16xi32>], vector<16xf32>,
          %gather3A_106 = tpu.vector_load_idx %arg12[%broadcast_in_dim3A_104] : memref<1040xf32, #tpu.memory_space<vmem>>[vector<16xi32>], vector<16xf32>,
          %gather3A_107 = tpu.vector_load_idx %arg13[%broadcast_in_dim3A_104] : memref<1040xf32, #tpu.memory_space<vmem>>[vector<16xi32>], vector<16xf32>,
          %gather3A_108 = tpu.vector_load_idx %arg14[%broadcast_in_dim3A_104] : memref<1040xf32, #tpu.memory_space<vmem>>[vector<16xi32>], vector<16xf32>,
          %gather3A_109 = tpu.vector_load_idx %arg15[%broadcast_in_dim3A_104] : memref<1040xf32, #tpu.memory_space<vmem>>[vector<16xi32>], vector<16xf32>,
          %gather3A_110 = tpu.vector_load_idx %arg16[%broadcast_in_dim3A_104] : memref<1040xf32, #tpu.memory_space<vmem>>[vector<16xi32>], vector<16xf32>,
          %max3A_111 = arith.maximumf %get3A_33, %gather3A_105 : vector<16xf32>
          %max3A_112 = arith.maximumf %get3A_35, %gather3A_106 : vector<16xf32>
          %min3A_113 = arith.minimumf %get3A_37, %gather3A_107 : vector<16xf32>
          %min3A_114 = arith.minimumf %get3A_39, %gather3A_108 : vector<16xf32>
          %sub3A_115 = arith.subf %min3A_113, %max3A_111 : vector<16xf32>
          %max3A_116 = arith.constant 0.000000e+00 : f32
          %max3A_117 = vector.broadcast %max3A_116 : f32 to vector<16xf32>
          %max3A_118 = arith.maximumf %sub3A_115, %max3A_117 : vector<16xf32>
          %sub3A_119 = arith.subf %min3A_114, %max3A_112 : vector<16xf32>
          %max3A_120 = arith.constant 0.000000e+00 : f32
          %max3A_121 = vector.broadcast %max3A_120 : f32 to vector<16xf32>
          %max3A_122 = arith.maximumf %sub3A_119, %max3A_121 : vector<16xf32>
          %mul3A_123 = arith.mulf %max3A_118, %max3A_122 : vector<16xf32>
          %add3A_124 = arith.addf %get3A_41, %gather3A_109 : vector<16xf32>
          %sub3A_125 = arith.subf %add3A_124, %mul3A_123 : vector<16xf32>
          %max3A_126 = arith.constant 9.99999993E-9 : f32
          %max3A_127 = vector.broadcast %max3A_126 : f32 to vector<16xf32>
          %max3A_128 = arith.maximumf %sub3A_125, %max3A_127 : vector<16xf32>
          %div3A_129 = arith.divf %mul3A_123, %max3A_128 : vector<16xf32>
          %gt3A_130 = arith.cmpf ogt, %gather3A_110, %get3A_43 : vector<16xf32>
          %eq3A_131 = arith.cmpf oeq, %gather3A_110, %get3A_43 : vector<16xf32>
          %lt3A_132 = arith.cmpi slt, %broadcast_in_dim3A_104, %add3A_47 : vector<16xi32>
          %and3A_133 = arith.andi %eq3A_131, %lt3A_132 : vector<16xi1>
          %or3A_134 = arith.ori %gt3A_130, %and3A_133 : vector<16xi1>
          %gt3A_135 = arith.constant 3.000000e-01 : f32
          %gt3A_136 = vector.broadcast %gt3A_135 : f32 to vector<16xf32>
          %gt3A_137 = arith.cmpf ogt, %div3A_129, %gt3A_136 : vector<16xf32>
          %and3A_138 = arith.andi %or3A_134, %gt3A_137 : vector<16xi1>
          %or3A_139 = arith.ori %or3A_99, %and3A_138 : vector<16xi1>
          %mul3A_140 = arith.constant 4 : i32
          %mul3A_141 = arith.muli %while3A_67, %mul3A_140 : i32
          %add3A_142 = arith.constant 2 : i32
          %add3A_143 = arith.addi %mul3A_141, %add3A_142 : i32
          %broadcast_in_dim3A_144 = vector.broadcast %add3A_143 : i32 to vector<16xi32>
          %gather3A_145 = tpu.vector_load_idx %arg11[%broadcast_in_dim3A_144] : memref<1040xf32, #tpu.memory_space<vmem>>[vector<16xi32>], vector<16xf32>,
          %gather3A_146 = tpu.vector_load_idx %arg12[%broadcast_in_dim3A_144] : memref<1040xf32, #tpu.memory_space<vmem>>[vector<16xi32>], vector<16xf32>,
          %gather3A_147 = tpu.vector_load_idx %arg13[%broadcast_in_dim3A_144] : memref<1040xf32, #tpu.memory_space<vmem>>[vector<16xi32>], vector<16xf32>,
          %gather3A_148 = tpu.vector_load_idx %arg14[%broadcast_in_dim3A_144] : memref<1040xf32, #tpu.memory_space<vmem>>[vector<16xi32>], vector<16xf32>,
          %gather3A_149 = tpu.vector_load_idx %arg15[%broadcast_in_dim3A_144] : memref<1040xf32, #tpu.memory_space<vmem>>[vector<16xi32>], vector<16xf32>,
          %gather3A_150 = tpu.vector_load_idx %arg16[%broadcast_in_dim3A_144] : memref<1040xf32, #tpu.memory_space<vmem>>[vector<16xi32>], vector<16xf32>,
          %max3A_151 = arith.maximumf %get3A_33, %gather3A_145 : vector<16xf32>
          %max3A_152 = arith.maximumf %get3A_35, %gather3A_146 : vector<16xf32>
          %min3A_153 = arith.minimumf %get3A_37, %gather3A_147 : vector<16xf32>
          %min3A_154 = arith.minimumf %get3A_39, %gather3A_148 : vector<16xf32>
          %sub3A_155 = arith.subf %min3A_153, %max3A_151 : vector<16xf32>
          %max3A_156 = arith.constant 0.000000e+00 : f32
          %max3A_157 = vector.broadcast %max3A_156 : f32 to vector<16xf32>
          %max3A_158 = arith.maximumf %sub3A_155, %max3A_157 : vector<16xf32>
          %sub3A_159 = arith.subf %min3A_154, %max3A_152 : vector<16xf32>
          %max3A_160 = arith.constant 0.000000e+00 : f32
          %max3A_161 = vector.broadcast %max3A_160 : f32 to vector<16xf32>
          %max3A_162 = arith.maximumf %sub3A_159, %max3A_161 : vector<16xf32>
          %mul3A_163 = arith.mulf %max3A_158, %max3A_162 : vector<16xf32>
          %add3A_164 = arith.addf %get3A_41, %gather3A_149 : vector<16xf32>
          %sub3A_165 = arith.subf %add3A_164, %mul3A_163 : vector<16xf32>
          %max3A_166 = arith.constant 9.99999993E-9 : f32
          %max3A_167 = vector.broadcast %max3A_166 : f32 to vector<16xf32>
          %max3A_168 = arith.maximumf %sub3A_165, %max3A_167 : vector<16xf32>
          %div3A_169 = arith.divf %mul3A_163, %max3A_168 : vector<16xf32>
          %gt3A_170 = arith.cmpf ogt, %gather3A_150, %get3A_43 : vector<16xf32>
          %eq3A_171 = arith.cmpf oeq, %gather3A_150, %get3A_43 : vector<16xf32>
          %lt3A_172 = arith.cmpi slt, %broadcast_in_dim3A_144, %add3A_47 : vector<16xi32>
          %and3A_173 = arith.andi %eq3A_171, %lt3A_172 : vector<16xi1>
          %or3A_174 = arith.ori %gt3A_170, %and3A_173 : vector<16xi1>
          %gt3A_175 = arith.constant 3.000000e-01 : f32
          %gt3A_176 = vector.broadcast %gt3A_175 : f32 to vector<16xf32>
          %gt3A_177 = arith.cmpf ogt, %div3A_169, %gt3A_176 : vector<16xf32>
          %and3A_178 = arith.andi %or3A_174, %gt3A_177 : vector<16xi1>
          %or3A_179 = arith.ori %or3A_139, %and3A_178 : vector<16xi1>
          %mul3A_180 = arith.constant 4 : i32
          %mul3A_181 = arith.muli %while3A_67, %mul3A_180 : i32
          %add3A_182 = arith.constant 3 : i32
          %add3A_183 = arith.addi %mul3A_181, %add3A_182 : i32
          %broadcast_in_dim3A_184 = vector.broadcast %add3A_183 : i32 to vector<16xi32>
          %gather3A_185 = tpu.vector_load_idx %arg11[%broadcast_in_dim3A_184] : memref<1040xf32, #tpu.memory_space<vmem>>[vector<16xi32>], vector<16xf32>,
          %gather3A_186 = tpu.vector_load_idx %arg12[%broadcast_in_dim3A_184] : memref<1040xf32, #tpu.memory_space<vmem>>[vector<16xi32>], vector<16xf32>,
          %gather3A_187 = tpu.vector_load_idx %arg13[%broadcast_in_dim3A_184] : memref<1040xf32, #tpu.memory_space<vmem>>[vector<16xi32>], vector<16xf32>,
          %gather3A_188 = tpu.vector_load_idx %arg14[%broadcast_in_dim3A_184] : memref<1040xf32, #tpu.memory_space<vmem>>[vector<16xi32>], vector<16xf32>,
          %gather3A_189 = tpu.vector_load_idx %arg15[%broadcast_in_dim3A_184] : memref<1040xf32, #tpu.memory_space<vmem>>[vector<16xi32>], vector<16xf32>,
          %gather3A_190 = tpu.vector_load_idx %arg16[%broadcast_in_dim3A_184] : memref<1040xf32, #tpu.memory_space<vmem>>[vector<16xi32>], vector<16xf32>,
          %max3A_191 = arith.maximumf %get3A_33, %gather3A_185 : vector<16xf32>
          %max3A_192 = arith.maximumf %get3A_35, %gather3A_186 : vector<16xf32>
          %min3A_193 = arith.minimumf %get3A_37, %gather3A_187 : vector<16xf32>
          %min3A_194 = arith.minimumf %get3A_39, %gather3A_188 : vector<16xf32>
          %sub3A_195 = arith.subf %min3A_193, %max3A_191 : vector<16xf32>
          %max3A_196 = arith.constant 0.000000e+00 : f32
          %max3A_197 = vector.broadcast %max3A_196 : f32 to vector<16xf32>
          %max3A_198 = arith.maximumf %sub3A_195, %max3A_197 : vector<16xf32>
          %sub3A_199 = arith.subf %min3A_194, %max3A_192 : vector<16xf32>
          %max3A_200 = arith.constant 0.000000e+00 : f32
          %max3A_201 = vector.broadcast %max3A_200 : f32 to vector<16xf32>
          %max3A_202 = arith.maximumf %sub3A_199, %max3A_201 : vector<16xf32>
          %mul3A_203 = arith.mulf %max3A_198, %max3A_202 : vector<16xf32>
          %add3A_204 = arith.addf %get3A_41, %gather3A_189 : vector<16xf32>
          %sub3A_205 = arith.subf %add3A_204, %mul3A_203 : vector<16xf32>
          %max3A_206 = arith.constant 9.99999993E-9 : f32
          %max3A_207 = vector.broadcast %max3A_206 : f32 to vector<16xf32>
          %max3A_208 = arith.maximumf %sub3A_205, %max3A_207 : vector<16xf32>
          %div3A_209 = arith.divf %mul3A_203, %max3A_208 : vector<16xf32>
          %gt3A_210 = arith.cmpf ogt, %gather3A_190, %get3A_43 : vector<16xf32>
          %eq3A_211 = arith.cmpf oeq, %gather3A_190, %get3A_43 : vector<16xf32>
          %lt3A_212 = arith.cmpi slt, %broadcast_in_dim3A_184, %add3A_47 : vector<16xi32>
          %and3A_213 = arith.andi %eq3A_211, %lt3A_212 : vector<16xi1>
          %or3A_214 = arith.ori %gt3A_210, %and3A_213 : vector<16xi1>
          %gt3A_215 = arith.constant 3.000000e-01 : f32
          %gt3A_216 = vector.broadcast %gt3A_215 : f32 to vector<16xf32>
          %gt3A_217 = arith.cmpf ogt, %div3A_209, %gt3A_216 : vector<16xf32>
          %and3A_218 = arith.andi %or3A_214, %gt3A_217 : vector<16xi1>
          %or3A_219 = arith.ori %or3A_179, %and3A_218 : vector<16xi1>
          scf.yield %or3A_219 : vector<16xi1>
        }
        %while3A_59 = arith.constant 1 : i32
        %while3A_60 = scf.for %while3A_67 = %while3A_56 to %while3A_52 step %while3A_59 iter_args(%while3A_68 = %while3A_58) -> (vector<16xi1>)  : i32 {
          %mul3A_69 = arith.constant 4 : i32
          %mul3A_70 = arith.muli %while3A_67, %mul3A_69 : i32
          %add3A_71 = arith.constant 0 : i32
          %add3A_72 = arith.addi %mul3A_70, %add3A_71 : i32
          %broadcast_in_dim3A_73 = vector.broadcast %add3A_72 : i32 to vector<16xi32>
          %gather3A = tpu.vector_load_idx %arg11[%broadcast_in_dim3A_73] : memref<1040xf32, #tpu.memory_space<vmem>>[vector<16xi32>], vector<16xf32>,
          %gather3A_74 = tpu.vector_load_idx %arg12[%broadcast_in_dim3A_73] : memref<1040xf32, #tpu.memory_space<vmem>>[vector<16xi32>], vector<16xf32>,
          %gather3A_75 = tpu.vector_load_idx %arg13[%broadcast_in_dim3A_73] : memref<1040xf32, #tpu.memory_space<vmem>>[vector<16xi32>], vector<16xf32>,
          %gather3A_76 = tpu.vector_load_idx %arg14[%broadcast_in_dim3A_73] : memref<1040xf32, #tpu.memory_space<vmem>>[vector<16xi32>], vector<16xf32>,
          %gather3A_77 = tpu.vector_load_idx %arg15[%broadcast_in_dim3A_73] : memref<1040xf32, #tpu.memory_space<vmem>>[vector<16xi32>], vector<16xf32>,
          %gather3A_78 = tpu.vector_load_idx %arg16[%broadcast_in_dim3A_73] : memref<1040xf32, #tpu.memory_space<vmem>>[vector<16xi32>], vector<16xf32>,
          %max3A = arith.maximumf %get3A_33, %gather3A : vector<16xf32>
          %max3A_79 = arith.maximumf %get3A_35, %gather3A_74 : vector<16xf32>
          %min3A = arith.minimumf %get3A_37, %gather3A_75 : vector<16xf32>
          %min3A_80 = arith.minimumf %get3A_39, %gather3A_76 : vector<16xf32>
          %sub3A = arith.subf %min3A, %max3A : vector<16xf32>
          %max3A_81 = arith.constant 0.000000e+00 : f32
          %max3A_82 = vector.broadcast %max3A_81 : f32 to vector<16xf32>
          %max3A_83 = arith.maximumf %sub3A, %max3A_82 : vector<16xf32>
          %sub3A_84 = arith.subf %min3A_80, %max3A_79 : vector<16xf32>
          %max3A_85 = arith.constant 0.000000e+00 : f32
          %max3A_86 = vector.broadcast %max3A_85 : f32 to vector<16xf32>
          %max3A_87 = arith.maximumf %sub3A_84, %max3A_86 : vector<16xf32>
          %mul3A_88 = arith.mulf %max3A_83, %max3A_87 : vector<16xf32>
          %add3A_89 = arith.addf %get3A_41, %gather3A_77 : vector<16xf32>
          %sub3A_90 = arith.subf %add3A_89, %mul3A_88 : vector<16xf32>
          %max3A_91 = arith.constant 9.99999993E-9 : f32
          %max3A_92 = vector.broadcast %max3A_91 : f32 to vector<16xf32>
          %max3A_93 = arith.maximumf %sub3A_90, %max3A_92 : vector<16xf32>
          %div3A = arith.divf %mul3A_88, %max3A_93 : vector<16xf32>
          %gt3A = arith.cmpf ogt, %gather3A_78, %get3A_43 : vector<16xf32>
          %eq3A = arith.cmpf oeq, %gather3A_78, %get3A_43 : vector<16xf32>
          %lt3A_94 = arith.cmpi slt, %broadcast_in_dim3A_73, %add3A_47 : vector<16xi32>
          %and3A = arith.andi %eq3A, %lt3A_94 : vector<16xi1>
          %or3A = arith.ori %gt3A, %and3A : vector<16xi1>
          %gt3A_95 = arith.constant 3.000000e-01 : f32
          %gt3A_96 = vector.broadcast %gt3A_95 : f32 to vector<16xf32>
          %gt3A_97 = arith.cmpf ogt, %div3A, %gt3A_96 : vector<16xf32>
          %and3A_98 = arith.andi %or3A, %gt3A_97 : vector<16xi1>
          %or3A_99 = arith.ori %while3A_68, %and3A_98 : vector<16xi1>
          %mul3A_100 = arith.constant 4 : i32
          %mul3A_101 = arith.muli %while3A_67, %mul3A_100 : i32
          %add3A_102 = arith.constant 1 : i32
          %add3A_103 = arith.addi %mul3A_101, %add3A_102 : i32
          %broadcast_in_dim3A_104 = vector.broadcast %add3A_103 : i32 to vector<16xi32>
          %gather3A_105 = tpu.vector_load_idx %arg11[%broadcast_in_dim3A_104] : memref<1040xf32, #tpu.memory_space<vmem>>[vector<16xi32>], vector<16xf32>,
          %gather3A_106 = tpu.vector_load_idx %arg12[%broadcast_in_dim3A_104] : memref<1040xf32, #tpu.memory_space<vmem>>[vector<16xi32>], vector<16xf32>,
          %gather3A_107 = tpu.vector_load_idx %arg13[%broadcast_in_dim3A_104] : memref<1040xf32, #tpu.memory_space<vmem>>[vector<16xi32>], vector<16xf32>,
          %gather3A_108 = tpu.vector_load_idx %arg14[%broadcast_in_dim3A_104] : memref<1040xf32, #tpu.memory_space<vmem>>[vector<16xi32>], vector<16xf32>,
          %gather3A_109 = tpu.vector_load_idx %arg15[%broadcast_in_dim3A_104] : memref<1040xf32, #tpu.memory_space<vmem>>[vector<16xi32>], vector<16xf32>,
          %gather3A_110 = tpu.vector_load_idx %arg16[%broadcast_in_dim3A_104] : memref<1040xf32, #tpu.memory_space<vmem>>[vector<16xi32>], vector<16xf32>,
          %max3A_111 = arith.maximumf %get3A_33, %gather3A_105 : vector<16xf32>
          %max3A_112 = arith.maximumf %get3A_35, %gather3A_106 : vector<16xf32>
          %min3A_113 = arith.minimumf %get3A_37, %gather3A_107 : vector<16xf32>
          %min3A_114 = arith.minimumf %get3A_39, %gather3A_108 : vector<16xf32>
          %sub3A_115 = arith.subf %min3A_113, %max3A_111 : vector<16xf32>
          %max3A_116 = arith.constant 0.000000e+00 : f32
          %max3A_117 = vector.broadcast %max3A_116 : f32 to vector<16xf32>
          %max3A_118 = arith.maximumf %sub3A_115, %max3A_117 : vector<16xf32>
          %sub3A_119 = arith.subf %min3A_114, %max3A_112 : vector<16xf32>
          %max3A_120 = arith.constant 0.000000e+00 : f32
          %max3A_121 = vector.broadcast %max3A_120 : f32 to vector<16xf32>
          %max3A_122 = arith.maximumf %sub3A_119, %max3A_121 : vector<16xf32>
          %mul3A_123 = arith.mulf %max3A_118, %max3A_122 : vector<16xf32>
          %add3A_124 = arith.addf %get3A_41, %gather3A_109 : vector<16xf32>
          %sub3A_125 = arith.subf %add3A_124, %mul3A_123 : vector<16xf32>
          %max3A_126 = arith.constant 9.99999993E-9 : f32
          %max3A_127 = vector.broadcast %max3A_126 : f32 to vector<16xf32>
          %max3A_128 = arith.maximumf %sub3A_125, %max3A_127 : vector<16xf32>
          %div3A_129 = arith.divf %mul3A_123, %max3A_128 : vector<16xf32>
          %gt3A_130 = arith.cmpf ogt, %gather3A_110, %get3A_43 : vector<16xf32>
          %eq3A_131 = arith.cmpf oeq, %gather3A_110, %get3A_43 : vector<16xf32>
          %lt3A_132 = arith.cmpi slt, %broadcast_in_dim3A_104, %add3A_47 : vector<16xi32>
          %and3A_133 = arith.andi %eq3A_131, %lt3A_132 : vector<16xi1>
          %or3A_134 = arith.ori %gt3A_130, %and3A_133 : vector<16xi1>
          %gt3A_135 = arith.constant 3.000000e-01 : f32
          %gt3A_136 = vector.broadcast %gt3A_135 : f32 to vector<16xf32>
          %gt3A_137 = arith.cmpf ogt, %div3A_129, %gt3A_136 : vector<16xf32>
          %and3A_138 = arith.andi %or3A_134, %gt3A_137 : vector<16xi1>
          %or3A_139 = arith.ori %or3A_99, %and3A_138 : vector<16xi1>
          %mul3A_140 = arith.constant 4 : i32
          %mul3A_141 = arith.muli %while3A_67, %mul3A_140 : i32
          %add3A_142 = arith.constant 2 : i32
          %add3A_143 = arith.addi %mul3A_141, %add3A_142 : i32
          %broadcast_in_dim3A_144 = vector.broadcast %add3A_143 : i32 to vector<16xi32>
          %gather3A_145 = tpu.vector_load_idx %arg11[%broadcast_in_dim3A_144] : memref<1040xf32, #tpu.memory_space<vmem>>[vector<16xi32>], vector<16xf32>,
          %gather3A_146 = tpu.vector_load_idx %arg12[%broadcast_in_dim3A_144] : memref<1040xf32, #tpu.memory_space<vmem>>[vector<16xi32>], vector<16xf32>,
          %gather3A_147 = tpu.vector_load_idx %arg13[%broadcast_in_dim3A_144] : memref<1040xf32, #tpu.memory_space<vmem>>[vector<16xi32>], vector<16xf32>,
          %gather3A_148 = tpu.vector_load_idx %arg14[%broadcast_in_dim3A_144] : memref<1040xf32, #tpu.memory_space<vmem>>[vector<16xi32>], vector<16xf32>,
          %gather3A_149 = tpu.vector_load_idx %arg15[%broadcast_in_dim3A_144] : memref<1040xf32, #tpu.memory_space<vmem>>[vector<16xi32>], vector<16xf32>,
          %gather3A_150 = tpu.vector_load_idx %arg16[%broadcast_in_dim3A_144] : memref<1040xf32, #tpu.memory_space<vmem>>[vector<16xi32>], vector<16xf32>,
          %max3A_151 = arith.maximumf %get3A_33, %gather3A_145 : vector<16xf32>
          %max3A_152 = arith.maximumf %get3A_35, %gather3A_146 : vector<16xf32>
          %min3A_153 = arith.minimumf %get3A_37, %gather3A_147 : vector<16xf32>
          %min3A_154 = arith.minimumf %get3A_39, %gather3A_148 : vector<16xf32>
          %sub3A_155 = arith.subf %min3A_153, %max3A_151 : vector<16xf32>
          %max3A_156 = arith.constant 0.000000e+00 : f32
          %max3A_157 = vector.broadcast %max3A_156 : f32 to vector<16xf32>
          %max3A_158 = arith.maximumf %sub3A_155, %max3A_157 : vector<16xf32>
          %sub3A_159 = arith.subf %min3A_154, %max3A_152 : vector<16xf32>
          %max3A_160 = arith.constant 0.000000e+00 : f32
          %max3A_161 = vector.broadcast %max3A_160 : f32 to vector<16xf32>
          %max3A_162 = arith.maximumf %sub3A_159, %max3A_161 : vector<16xf32>
          %mul3A_163 = arith.mulf %max3A_158, %max3A_162 : vector<16xf32>
          %add3A_164 = arith.addf %get3A_41, %gather3A_149 : vector<16xf32>
          %sub3A_165 = arith.subf %add3A_164, %mul3A_163 : vector<16xf32>
          %max3A_166 = arith.constant 9.99999993E-9 : f32
          %max3A_167 = vector.broadcast %max3A_166 : f32 to vector<16xf32>
          %max3A_168 = arith.maximumf %sub3A_165, %max3A_167 : vector<16xf32>
          %div3A_169 = arith.divf %mul3A_163, %max3A_168 : vector<16xf32>
          %gt3A_170 = arith.cmpf ogt, %gather3A_150, %get3A_43 : vector<16xf32>
          %eq3A_171 = arith.cmpf oeq, %gather3A_150, %get3A_43 : vector<16xf32>
          %lt3A_172 = arith.cmpi slt, %broadcast_in_dim3A_144, %add3A_47 : vector<16xi32>
          %and3A_173 = arith.andi %eq3A_171, %lt3A_172 : vector<16xi1>
          %or3A_174 = arith.ori %gt3A_170, %and3A_173 : vector<16xi1>
          %gt3A_175 = arith.constant 3.000000e-01 : f32
          %gt3A_176 = vector.broadcast %gt3A_175 : f32 to vector<16xf32>
          %gt3A_177 = arith.cmpf ogt, %div3A_169, %gt3A_176 : vector<16xf32>
          %and3A_178 = arith.andi %or3A_174, %gt3A_177 : vector<16xi1>
          %or3A_179 = arith.ori %or3A_139, %and3A_178 : vector<16xi1>
          %mul3A_180 = arith.constant 4 : i32
          %mul3A_181 = arith.muli %while3A_67, %mul3A_180 : i32
          %add3A_182 = arith.constant 3 : i32
          %add3A_183 = arith.addi %mul3A_181, %add3A_182 : i32
          %broadcast_in_dim3A_184 = vector.broadcast %add3A_183 : i32 to vector<16xi32>
          %gather3A_185 = tpu.vector_load_idx %arg11[%broadcast_in_dim3A_184] : memref<1040xf32, #tpu.memory_space<vmem>>[vector<16xi32>], vector<16xf32>,
          %gather3A_186 = tpu.vector_load_idx %arg12[%broadcast_in_dim3A_184] : memref<1040xf32, #tpu.memory_space<vmem>>[vector<16xi32>], vector<16xf32>,
          %gather3A_187 = tpu.vector_load_idx %arg13[%broadcast_in_dim3A_184] : memref<1040xf32, #tpu.memory_space<vmem>>[vector<16xi32>], vector<16xf32>,
          %gather3A_188 = tpu.vector_load_idx %arg14[%broadcast_in_dim3A_184] : memref<1040xf32, #tpu.memory_space<vmem>>[vector<16xi32>], vector<16xf32>,
          %gather3A_189 = tpu.vector_load_idx %arg15[%broadcast_in_dim3A_184] : memref<1040xf32, #tpu.memory_space<vmem>>[vector<16xi32>], vector<16xf32>,
          %gather3A_190 = tpu.vector_load_idx %arg16[%broadcast_in_dim3A_184] : memref<1040xf32, #tpu.memory_space<vmem>>[vector<16xi32>], vector<16xf32>,
          %max3A_191 = arith.maximumf %get3A_33, %gather3A_185 : vector<16xf32>
          %max3A_192 = arith.maximumf %get3A_35, %gather3A_186 : vector<16xf32>
          %min3A_193 = arith.minimumf %get3A_37, %gather3A_187 : vector<16xf32>
          %min3A_194 = arith.minimumf %get3A_39, %gather3A_188 : vector<16xf32>
          %sub3A_195 = arith.subf %min3A_193, %max3A_191 : vector<16xf32>
          %max3A_196 = arith.constant 0.000000e+00 : f32
          %max3A_197 = vector.broadcast %max3A_196 : f32 to vector<16xf32>
          %max3A_198 = arith.maximumf %sub3A_195, %max3A_197 : vector<16xf32>
          %sub3A_199 = arith.subf %min3A_194, %max3A_192 : vector<16xf32>
          %max3A_200 = arith.constant 0.000000e+00 : f32
          %max3A_201 = vector.broadcast %max3A_200 : f32 to vector<16xf32>
          %max3A_202 = arith.maximumf %sub3A_199, %max3A_201 : vector<16xf32>
          %mul3A_203 = arith.mulf %max3A_198, %max3A_202 : vector<16xf32>
          %add3A_204 = arith.addf %get3A_41, %gather3A_189 : vector<16xf32>
          %sub3A_205 = arith.subf %add3A_204, %mul3A_203 : vector<16xf32>
          %max3A_206 = arith.constant 9.99999993E-9 : f32
          %max3A_207 = vector.broadcast %max3A_206 : f32 to vector<16xf32>
          %max3A_208 = arith.maximumf %sub3A_205, %max3A_207 : vector<16xf32>
          %div3A_209 = arith.divf %mul3A_203, %max3A_208 : vector<16xf32>
          %gt3A_210 = arith.cmpf ogt, %gather3A_190, %get3A_43 : vector<16xf32>
          %eq3A_211 = arith.cmpf oeq, %gather3A_190, %get3A_43 : vector<16xf32>
          %lt3A_212 = arith.cmpi slt, %broadcast_in_dim3A_184, %add3A_47 : vector<16xi32>
          %and3A_213 = arith.andi %eq3A_211, %lt3A_212 : vector<16xi1>
          %or3A_214 = arith.ori %gt3A_210, %and3A_213 : vector<16xi1>
          %gt3A_215 = arith.constant 3.000000e-01 : f32
          %gt3A_216 = vector.broadcast %gt3A_215 : f32 to vector<16xf32>
          %gt3A_217 = arith.cmpf ogt, %div3A_209, %gt3A_216 : vector<16xf32>
          %and3A_218 = arith.andi %or3A_214, %gt3A_217 : vector<16xi1>
          %or3A_219 = arith.ori %or3A_179, %and3A_218 : vector<16xi1>
          scf.yield %or3A_219 : vector<16xi1>
        }
        %jit3A = arith.constant 0.000000e+00 : f32
        %broadcast_in_dim3A_61 = vector.broadcast %jit3A : f32 to vector<16xf32>
        %select_n3A = arith.select %while3A_60, %broadcast_in_dim3A_61, %get3A_43 : vector<16xi1>, vector<16xf32>
        %lt3A_62 = vector.broadcast %scan3A_7 : i32 to vector<16xi32>
        %lt3A_63 = arith.cmpi slt, %add3A_47, %lt3A_62 : vector<16xi32>
        %get3A_64 = arith.index_cast %mul3A_32 : i32 to index
        %get3A_65 = tpu.vector_load %arg17[%get3A_64] {strides = array<i32>} : memref<1040xi32, #tpu.memory_space<vmem>>, vector<16xi32>,
        tpu.vector_store_idx %arg18[%get3A_65], %select_n3A masked %lt3A_63 : memref<1024xf32, #tpu.memory_space<vmem>>[vector<16xi32>], vector<16xf32>, vector<16xi1>
        %while3A_66 = arith.constant 0 : i32
        scf.yield %while3A_66 : i32
      }
      "tpu.region"() ({
        %run_scoped3A = tpu.sem_alloc : memref<!tpu.dma_semaphore, #tpu.memory_space<semaphore_mem>>
        %dma_start3A = arith.constant 0 : i32
        %dma_start3A_29 = arith.constant 0 : i32
        %dma_start3A_30 = tpu.memref_slice %arg5[%add3A, %dma_start3A, %dma_start3A_29] : memref<20x4x1024xf32, #tpu.memory_space<hbm>> -> memref<1x4x1024xf32, #tpu.memory_space<hbm>>
        %dma_start3A_31 = tpu.memref_squeeze %dma_start3A_30 : memref<1x4x1024xf32, #tpu.memory_space<hbm>> -> memref<4x1024xf32, #tpu.memory_space<hbm>>
        %dma_start3A_32 = arith.constant 0 : i32
        %dma_start3A_33 = arith.constant 0 : i32
        %dma_start3A_34 = tpu.memref_slice %arg5[%add3A, %dma_start3A_32, %dma_start3A_33] : memref<20x4x1024xf32, #tpu.memory_space<hbm>> -> memref<1x4x1024xf32, #tpu.memory_space<hbm>>
        %dma_start3A_35 = tpu.memref_squeeze %dma_start3A_34 : memref<1x4x1024xf32, #tpu.memory_space<hbm>> -> memref<4x1024xf32, #tpu.memory_space<hbm>>
        tpu.enqueue_dma source(%arg10 : memref<4x1024xf32, #tpu.memory_space<vmem>>) target(%dma_start3A_35 : memref<4x1024xf32, #tpu.memory_space<hbm>>) target_semaphore(%run_scoped3A : memref<!tpu.dma_semaphore, #tpu.memory_space<semaphore_mem>>)
        %dma_wait3A = arith.constant 0 : i32
        %dma_wait3A_36 = arith.constant 0 : i32
        %dma_wait3A_37 = tpu.memref_slice %arg5[%add3A, %dma_wait3A, %dma_wait3A_36] : memref<20x4x1024xf32, #tpu.memory_space<hbm>> -> memref<1x4x1024xf32, #tpu.memory_space<hbm>>
        %dma_wait3A_38 = tpu.memref_squeeze %dma_wait3A_37 : memref<1x4x1024xf32, #tpu.memory_space<hbm>> -> memref<4x1024xf32, #tpu.memory_space<hbm>>
        %dma_wait3A_39 = arith.constant 0 : i32
        %dma_wait3A_40 = arith.constant 0 : i32
        %dma_wait3A_41 = tpu.memref_slice %arg5[%add3A, %dma_wait3A_39, %dma_wait3A_40] : memref<20x4x1024xf32, #tpu.memory_space<hbm>> -> memref<1x4x1024xf32, #tpu.memory_space<hbm>>
        %dma_wait3A_42 = tpu.memref_squeeze %dma_wait3A_41 : memref<1x4x1024xf32, #tpu.memory_space<hbm>> -> memref<4x1024xf32, #tpu.memory_space<hbm>>
        tpu.wait_dma2 semaphore(%run_scoped3A : memref<!tpu.dma_semaphore, #tpu.memory_space<semaphore_mem>>) src(%arg10 : memref<4x1024xf32, #tpu.memory_space<vmem>>) dst(%dma_wait3A_42 : memref<4x1024xf32, #tpu.memory_space<hbm>>)
        tpu.yield
      }) : () -> ()
      "tpu.region"() ({
        %run_scoped3A = tpu.sem_alloc : memref<!tpu.dma_semaphore, #tpu.memory_space<semaphore_mem>>
        %dma_start3A = arith.constant 0 : i32
        %dma_start3A_29 = tpu.memref_slice %arg6[%add3A, %dma_start3A] : memref<20x1024xf32, #tpu.memory_space<hbm>> -> memref<1x1024xf32, #tpu.memory_space<hbm>>
        %dma_start3A_30 = tpu.memref_squeeze %dma_start3A_29 : memref<1x1024xf32, #tpu.memory_space<hbm>> -> memref<1024xf32, #tpu.memory_space<hbm>>
        %dma_start3A_31 = arith.constant 0 : i32
        %dma_start3A_32 = tpu.memref_slice %arg6[%add3A, %dma_start3A_31] : memref<20x1024xf32, #tpu.memory_space<hbm>> -> memref<1x1024xf32, #tpu.memory_space<hbm>>
        %dma_start3A_33 = tpu.memref_squeeze %dma_start3A_32 : memref<1x1024xf32, #tpu.memory_space<hbm>> -> memref<1024xf32, #tpu.memory_space<hbm>>
        tpu.enqueue_dma source(%arg18 : memref<1024xf32, #tpu.memory_space<vmem>>) target(%dma_start3A_33 : memref<1024xf32, #tpu.memory_space<hbm>>) target_semaphore(%run_scoped3A : memref<!tpu.dma_semaphore, #tpu.memory_space<semaphore_mem>>)
        %dma_wait3A = arith.constant 0 : i32
        %dma_wait3A_34 = tpu.memref_slice %arg6[%add3A, %dma_wait3A] : memref<20x1024xf32, #tpu.memory_space<hbm>> -> memref<1x1024xf32, #tpu.memory_space<hbm>>
        %dma_wait3A_35 = tpu.memref_squeeze %dma_wait3A_34 : memref<1x1024xf32, #tpu.memory_space<hbm>> -> memref<1024xf32, #tpu.memory_space<hbm>>
        %dma_wait3A_36 = arith.constant 0 : i32
        %dma_wait3A_37 = tpu.memref_slice %arg6[%add3A, %dma_wait3A_36] : memref<20x1024xf32, #tpu.memory_space<hbm>> -> memref<1x1024xf32, #tpu.memory_space<hbm>>
        %dma_wait3A_38 = tpu.memref_squeeze %dma_wait3A_37 : memref<1x1024xf32, #tpu.memory_space<hbm>> -> memref<1024xf32, #tpu.memory_space<hbm>>
        tpu.wait_dma2 semaphore(%run_scoped3A : memref<!tpu.dma_semaphore, #tpu.memory_space<semaphore_mem>>) src(%arg18 : memref<1024xf32, #tpu.memory_space<vmem>>) dst(%dma_wait3A_38 : memref<1024xf32, #tpu.memory_space<hbm>>)
        tpu.yield
      }) : () -> ()
    } else {
    }
    return
  }
}

</mosaic_0001>

<sc_bundles>
// kernel: kernel.3.cloned.1.call-start
scs
__scs_entry_jumppad:
0x0: {  	(pc) =	sbr.rel $0x88, $3  }
0x1: {  	(tag) =	ssettag $0x0;
	lr =	simm.s32 $0x1  }
0x2: {  	[smem:$0x3F9E] =	sst lr;
	_ =	strace $0xD0000000  }
0x3: {  	_ = 	snop  }
0x4: {  	_ = 	snop  }
0x5: {  	_ = 	snop  }
0x6: {  	_ = 	snop  }
0x7: {  	_ = 	snop  }
__scs_overlays_trampoline_lowered:
0x8: {  	[smem:$0x3FAD] =	sst s0  }
0x9: {  	[smem:$0x3FAE] =	sst s1  }
0xa: {  	[smem:$0x3FAF] =	sst s2  }
0xb: {  	[smem:$0x3FB0] =	sst s3  }
0xc: {  	[smem:$0x3FB1] =	sst s4  }
0xd: {  	[smem:$0x3FB2] =	sst s5  }
0xe: {  	[smem:$0x3FB3] =	sst s6  }
0xf: {  	[smem:$0x3FB4] =	sst s7  }
0x10: {  	[smem:$0x3FB5] =	sst s8  }
0x11: {  	[smem:$0x3FB6] =	sst s9;
	s0 =	simm.s32 @!p0 $0x0  }
0x12: {  	s1 =	sld [smem:$0x3F9C];
	s0 =	simm.s32 @p0 $0x1  }
0x13: {  	[smem:$0x3FB7] =	sst s0;
	s0 =	simm.s32 @!p1 $0x0  }
0x14: {  	s2 =	sld [smem:$0x3F9B];
	s0 =	simm.s32 @p1 $0x1  }
0x15: {  	[smem:$0x3FB8] =	sst s0;
	s0 =	simm.s32 @!p2 $0x0  }
0x16: {  	s3 =	sld [smem:$0x3FDB];
	s0 =	simm.s32 @p2 $0x1  }
0x17: {  	s4 =	simm.s32 $0x1BF5;
	[smem:$0x3FBA] =	sst s0  }
0x18: {  	s0 =	sld [smem:$0x3F9D];
	_ =	swait.ge [sflag:s4], $0x0  }
0x19: {  	s7 =	sld [smem:$0x3F9E]  }
0x1a: {  	s8 =	sadd.s32 $0xFFFFE003, lr  }
0x1b: {  	s9 =	sadd.s32 $0xFFFFFEF7, lr;
	s5 =	simm.s32 $0xFFFFFFFF;
	p2 =	slt.u32 s8, $0xFFFFF086  }
0x1c: {  	p1 =	slt.u32 s9, $0xF7A;
	s5 =	simm.s32 @!p2 $0x0  }
0x1d: {  	s5 =	simm.s32 @p1 $0x1;
	p0 =	seq.s32 s7, s2  }
0x1e: {  	s7 =	smul.u32 @!p0 $0xF7A, s2;
	p2 =	seq.s32 @!p0 s5, $0x0  }
0x1f: {  	s9 =	smul.u32 $0xF7A, s1;
	s8 =	simm.s32 @!p0 $0x1BF5;
	p2 =	por !p2, p0  }
0x20: {  	[sflag:s8] =	ssyncset.s32 @!p0 $0xFFFFF086;
	s6 =	sadd.s32 @!p0 s3, s7;
	s7 =	simm.s32 @!p0 $0x108  }
0x21: {  	s3 =	sadd.s32 s3, s9;
	s6 =	sadd.s32 @!p0 $0x88, s6;
	s7 =	simm.s32 @p2 $0x1082  }
0x22: {  	[simem:s7], [sflag:s8] =	dma.local @!p0 [hbm:s6], $0xF7A  }
0x23: {  	s9 =	sor.u32 $0xD0000000, s2;
	s6 =	simm.s32 $0x108;
	_ =	swait.ge @!p0 [sflag:s8], $0x0  }
0x24: {  	s3 =	sadd.s32 $0x88, s3;
	s6 =	simm.s32 @!p1 $0x1082;
	[sflag:s4] =	ssyncset.s32 $0xFFFFF086  }
0x25: {  	[simem:s6], [sflag:s4] =	dma.local [hbm:s3], $0xF7A  }
0x26: {  	[smem:$0x3F9E] =	sst s1;
	(tag) =	ssettag s2;
	_ =	strace s9  }
0x27: {  	s1 =	sld [smem:$0x3FAE]  }
0x28: {  	s2 =	sld [smem:$0x3FAF]  }
0x29: {  	s4 =	sld [smem:$0x3FB1]  }
0x2a: {  	p0 =	seq.s32 s5, $0x0;
	s5 =	sld [smem:$0x3FB2]  }
0x2b: {  	s6 =	sld [smem:$0x3FB3]  }
0x2c: {  	s7 =	sld [smem:$0x3FB4]  }
0x2d: {  	s3 =	simm.s32 $0x108;
	s8 =	sld [smem:$0x3FB5]  }
0x2e: {  	s3 =	simm.s32 @!p0 $0x1082;
	s9 =	sld [smem:$0x3FB6]  }
0x2f: {  	lr =	sadd.s32 s0, s3;
	s0 =	sld [smem:$0x3FAD]  }
0x30: {  	s3 =	sld [smem:$0x3FB0]  }
0x31: {  	[smem:$0x3FB9] =	sst s10  }
0x32: {  	s10 =	sld [smem:$0x3FB7];
	_ =	sdelay $0x3  }
0x33: {  	p0 =	seq.s32 s10, $0x1;
	s10 =	sld [smem:$0x3FB9];
	_ =	sdelay $0x3  }
0x34: {  	[smem:$0x3FB9] =	sst s10  }
0x35: {  	s10 =	sld [smem:$0x3FB8];
	_ =	sdelay $0x3  }
0x36: {  	p1 =	seq.s32 s10, $0x1;
	s10 =	sld [smem:$0x3FB9];
	_ =	sdelay $0x3  }
0x37: {  	[smem:$0x3FB9] =	sst s10  }
0x38: {  	s10 =	sld [smem:$0x3FBA]  }
0x39: {  	_ = 	snop;
	(pc) =	sbr.ind lr, $3  }
0x3a: {  	_ = 	snop  }
0x3b: {  	_ = 	snop  }
0x3c: {  	p2 =	seq.s32 s10, $0x1;
	s10 =	sld [smem:$0x3FB9]  }
0x3d: {  	_ =	shalt  }
0x3e: {  	_ =	shalt  }
0x3f: {  	_ =	shalt  }
0x40: {  	_ =	shalt  }
0x41: {  	_ =	shalt  }
0x42: {  	_ =	shalt  }
0x43: {  	_ =	shalt  }
0x44: {  	_ =	shalt  }
0x45: {  	_ =	shalt  }
0x46: {  	_ =	shalt  }
0x47: {  	_ =	shalt  }
0x48: {  	_ =	shalt  }
0x49: {  	_ =	shalt  }
0x4a: {  	_ =	shalt  }
0x4b: {  	_ =	shalt  }
0x4c: {  	_ =	shalt  }
0x4d: {  	_ =	shalt  }
0x4e: {  	_ =	shalt  }
0x4f: {  	_ =	shalt  }
0x50: {  	_ =	shalt  }
0x51: {  	_ =	shalt  }
0x52: {  	_ =	shalt  }
0x53: {  	_ =	shalt  }
0x54: {  	_ =	shalt  }
0x55: {  	_ =	shalt  }
0x56: {  	_ =	shalt  }
0x57: {  	_ =	shalt  }
0x58: {  	_ =	shalt  }
0x59: {  	_ =	shalt  }
0x5a: {  	_ =	shalt  }
0x5b: {  	_ =	shalt  }
0x5c: {  	_ =	shalt  }
0x5d: {  	_ =	shalt  }
0x5e: {  	_ =	shalt  }
0x5f: {  	_ =	shalt  }
0x60: {  	_ =	shalt  }
0x61: {  	_ =	shalt  }
0x62: {  	_ =	shalt  }
0x63: {  	_ =	shalt  }
0x64: {  	_ =	shalt  }
0x65: {  	_ =	shalt  }
0x66: {  	_ =	shalt  }
0x67: {  	_ =	shalt  }
0x68: {  	_ =	shalt  }
0x69: {  	_ =	shalt  }
0x6a: {  	_ =	shalt  }
0x6b: {  	_ =	shalt  }
0x6c: {  	_ =	shalt  }
0x6d: {  	_ =	shalt  }
0x6e: {  	_ =	shalt  }
0x6f: {  	_ =	shalt  }
0x70: {  	_ =	shalt  }
0x71: {  	_ =	shalt  }
0x72: {  	_ =	shalt  }
0x73: {  	_ =	shalt  }
0x74: {  	_ =	shalt  }
0x75: {  	_ =	shalt  }
0x76: {  	_ =	shalt  }
0x77: {  	_ =	shalt  }
0x78: {  	_ =	shalt  }
0x79: {  	_ =	shalt  }
0x7a: {  	_ =	shalt  }
0x7b: {  	_ =	shalt  }
0x7c: {  	_ =	shalt  }
0x7d: {  	_ =	shalt  }
0x7e: {  	_ =	shalt  }
0x7f: {  	_ =	shalt  }
0x80: {  	_ =	shalt  }
0x81: {  	_ =	shalt  }
0x82: {  	_ =	shalt  }
0x83: {  	_ =	shalt  }
0x84: {  	_ =	shalt  }
0x85: {  	_ =	shalt  }
0x86: {  	_ =	shalt  }
0x87: {  	_ =	shalt  }
.Lfunc_end0:
.L_simem_size_0:
called_computation_lowered:
.L_overlay_start_0:
0x88: {  	s2 =	sld [smem:$0x3FD9]  }
0x89: {  	s3 =	sld [smem:$0x3FFE];
	_ =	sdelay $0x1  }
0x8a: {  	s1 =	srdreg.scid  }
0x8b: {  	s0 =	sand.u32 $0x1, s1  }
0x8c: {  	s14 =	sshll.u32 s0, $0xA;
	s2 =	sadd.s32 s3, s2  }
0x8d: {  	s2 =	sadd.s32 s2, s14  }
0x8e: {  	[smem:$0x3FC5] =	sst s2  }
0x8f: {  	_ = 	snop  }
0x90: {  	s2 =	sld [smem:$0x3FD0];
	_ =	sdelay $0x2  }
0x91: {  	s15 =	simm.s32 $0xA;
	s4 =	simm.s32 $0x10  }
0x92: {  	[smem:s4], [sflag:s15] =	dma.local [hbm:s2], $0x1  }
0x93: {  	_ =	swait.eq [sflag:s15], $0x1  }
0x94: {  	[sflag:s15] =	ssyncset.done $0x0  }
0x95: {  	s16 =	sld [smem:$0x10];
	[sflag:s15] =	ssyncadd.s32 $0xFFFFFFFF  }
0x96: {  	s17 =	sld [smem:$0x11];
	(tm) =	ssettm $0x1  }
0x97: {  	s18 =	sld [smem:$0x3FFB];
	_ =	sdelay $0x3  }
0x98: {  	_ =	strace s18  }
0x99: {  	s4 =	sld [smem:$0x3FFC];
	_ =	sdelay $0x3  }
0x9a: {  	_ =	strace s4  }
0x9b: {  	s4 =	sld [smem:$0x3FFD];
	_ =	sdelay $0x3  }
0x9c: {  	_ =	strace s4  }
0x9d: {  	_ =	strace $0x8FFFFFFF  }
0x9e: {  	s19 =	sld [smem:$0x3FDB];
	_ =	sdelay $0x1  }
0x9f: {  	s5 =	simm.s32 $_scs_section_size  }
0xa0: {  	s6 =	simm.s32 $_size__tile_overlayer_lowered;
	s7 =	simm.s32 $_tile_overlayer_lowered  }
0xa1: {  	s22 =	simm.s32 $0x1BFF;
	s21 =	sshll.u32 s7, $0x1;
	s4 =	sadd.s32 s5, s19  }
0xa2: {  	s8 =	simm.s32 $0x0;
	s20 =	sshll.u32 s6, $0x1;
	s6 =	sadd.s32 s21, s4  }
0xa3: {  	[timem:s8], [sflag:s22] =	dma.local [hbm:s6], s20  }
0xa4: {  	_ =	swait.ge [sflag:s22], s20  }
0xa5: {  	s5 =	ssub.s32 $0x0, s20;
	[sflag:s22] =	ssyncset.done $0x0  }
0xa6: {  	[sflag:s22] =	ssyncadd.s32 s5;
	_ =	sdelay $0x1  }
0xa7: {  	s23 =	simm.s32 $0x1B8B  }
0xa8: {  	_ =	swait.ge [sflag:s23], $0x1  }
0xa9: {  	[sflag:s23] =	ssyncset.done $0x0  }
0xaa: {  	s25 =	simm.s32 $0x1B8E;
	s24 =	sld [smem:$0x3FFE];
	[sflag:s23] =	ssyncadd.s32 $0xFFFFFFFF  }
0xab: {  	s26 =	simm.s32 $execute0_lowered;
	[smem:$0x3FD2] =	sst s25  }
0xac: {  	s6 =	sshll.u32 s26, $0x1;
	_ =	strace $0x80000046;
	[dreg:$0x1] =	wrdreg $0xFFFFFFFF  }
0xad: {  	s28 =	simm.s32 $_size_execute0_lowered;
	s4 =	sadd.s32 s4, s6;
	[dreg:$0x0] =	wrdreg $0x0  }
0xae: {  	s6 =	sshll.u32 s28, $0x1;
	[dreg:$0x2] =	wrdreg s4  }
0xaf: {  	[dreg:$0x3] =	wrdreg s6  }
0xb0: {  	[dreg:$0x4] =	wrdreg $0xC0  }
0xb1: {  	_ =	task [dreg:s8], $0x5FFFF  }
0xb2: {  	[dreg:$0x1] =	wrdreg $0xFFFFFFFF  }
0xb3: {  	[dreg:$0x0] =	wrdreg $0x60  }
0xb4: {  	[dreg:$0x2] =	wrdreg s24  }
0xb5: {  	[dreg:$0x3] =	wrdreg s16  }
0xb6: {  	[dreg:$0x4] =	wrdreg s17  }
0xb7: {  	[dreg:$0x5] =	wrdreg $0x9  }
0xb8: {  	_ =	task.clear_ibuf [dreg:s8], $0x6FFFF;
	_ =	strace $0x90000046  }
0xb9: {  	s29 =	simm.s32 $0x9;
	_ =	strace $0x80000048  }
0xba: {  	_ =	swait.ge [sflag:s29], $0x1  }
0xbb: {  	[sflag:s29] =	ssyncadd.s32 $0xFFFFFFFF  }
0xbc: {  	_ =	strace $0x90000048  }
0xbd: {  	_ =	sfence  }
0xbe: {  	s30 =	sld [smem:$0x0];
	_ =	sdelay $0x2  }
0xbf: {  	s31 =	sshll.u32 s1, $0xD;
	s1 =	sshrl.u32 s1, $0x2  }
0xc0: {  	s3 =	sand.u32 $0x4000, s31;
	s1 =	sadd.s32 s1, s30  }
0xc1: {  	s0 =	sor.u32 s3, s0;
	s1 =	sshll.u32 s1, $0x11  }
0xc2: {  	s0 =	sor.u32 s1, s0  }
0xc3: {  	s0 =	sadd.s32 $0x8F2B, s0  }
0xc4: {  	[sflag:s0] =	ssyncadd.remote.s32 $0x1  }
0xc5: {  	_ =	sfence.sel $0xFFFF  }
0xc6: {  	[dreg:$0x0] =	wrdreg $0xFFFFFFFF;
	(pc) =	sbr.abs _section_cstart, $3  }
0xc7: {  	[dreg:$0x1] =	wrdreg $0xFFFFFFFF  }
0xc8: {  	_ =	task.clear_ibuf [dreg:s8], $0x2FFFF;
	_ =	strace $0x9FFFFFFF  }
0xc9: {  	(tm) =	ssettm $0x7FFFFFFF  }
tec
execute0_lowered:
.L_overlay_start_1:
0x0: {  	(tag) =	ssettag $0x1  }
0x1: {  	s3 =	stileid.u32  }
0x2: {  	p0 =	sgt.u32 s3, $0x9  }
.Ltmp0:
0x3: {  	_ = 	snop;
	(pc) =	sbr.rel @p0 .LBB2_16-.Ltmp0, $4  }
0x4: {  	s2 =	rddreg [dreg:$0x0]  }
0x5: {  	s0 =	rddreg [dreg:$0x1];
	s4 =	simm.s32 $0x0  }
0x6: {  	[smem:$0x7FF] =	sst s4  }
0x7: {  	s1 =	rddreg [dreg:$0x2];
	_ =	strace $0x80000047  }
0x8: {  	s3 =	srdreg.scid;
	s4 =	stileid.u32  }
0x9: {  	s26 =	sadd.s32 $0x600, s2;
	s16 =	simm.s32 $0xAF80;
	s17 =	simm.s32 $0x9000  }
0xa: {  	s18 =	simm.s32 $0x9480;
	s19 =	simm.s32 $0x9900;
	s7 =	sand.u32 $0x1, s3  }
0xb: {  	s20 =	simm.s32 $0x9D80;
	s21 =	simm.s32 $0xA200;
	s3 =	smul.u32 $0xA, s7  }
0xc: {  	s22 =	simm.s32 $0xA680;
	s23 =	simm.s32 $0x0;
	s10 =	ssub.s32 $0x2, s7  }
0xd: {  	[dreg:$0x4] =	wrdreg s26;
	s30 =	sshrl.u32 s10, $0x1;
	s8 =	sadd.s32 s4, s3  }
0xe: {  	s4 =	sadd.s32 $0x800, s2;
	s31 =	ssub.s32 s10, s30;
	s10 =	simm.s32 $0x1  }
0xf: {  	s3 =	sadd.s32 $0x1, s8;
	s9 =	sshll.u32 s8, $0x9;
	s29 =	sshll.u32 s8, $0x4  }
.Ltmp1:
0x10: {  	s8 =	sshll.u32 s8, $0x7;
	s25 =	sshll.u32 s3, $0xA;
	(pc) =	sbr.rel .LBB2_2-.Ltmp1, $4  }
0x11: {  	s5 =	sshll.u32 s3, $0x7;
	s6 =	sadd.s32 s9, s2;
	s2 =	sand.u32 $0x70, s29  }
0x12: {  	s8 =	sand.u32 $0xC00, s8;
	s7 =	sadd.s32 s0, s9;
	s5 =	sor.u32 s5, s25  }
0x13: {  	s9 =	smax.u32 s31, $0x1;
	s1 =	sadd.s32 s1, s2;
	s28 =	sand.u32 $0xE380, s5  }
0x14: {  	v0 =	vlaneseq.u32;
	v1 =	vimm.f32 $0.0e+00;
	vm0 =	vmxor vm0, vm0;
	s5 =	sadd.s32 $0x1400, s6;
	s8 =	sadd.s32 s8, s1;
	s6 =	sadd.s32 $0x2000, s28  }
.LBB2_15:
0x15: {  	s0 =	simm.s32 $0x0;
	s1 =	simm.s32 $0x8000  }
0x16: {  	[hbm4b:s7+s0] =	stream.linear.scatter [tilespmem:s1], [sflag:$0x1], $0x1000, $0x38;
	[tilespmem:$0xB380] =	vst v63  }
0x17: {  	s23 =	sadd.s32 $0x1, s23;
	_ =	swait.ge [sflag:s10], $0x1000  }
0x18: {  	s30 =	simm.s32 $0x80;
	p0 =	sne.s32 s23, s9;
	[sflag:s10] =	ssyncset.done $0x0  }
.Ltmp2:
0x19: {  	s31 =	simm.s32 $0x400;
	[sflag:s10] =	ssyncadd.s32 $0xFFFFF000;
	(pc) =	sbr.rel @!p0 .LBB2_16-.Ltmp2, $4  }
0x1a: {  	[hbm4b:s8+s30] =	stream.strided.scatter [tilespmem:s16], [sflag:$0x1], $0x400, s31, s30, $0x38;
	[tilespmem:$0xB380] =	vst v63  }
0x1b: {  	_ =	swait.ge [sflag:s10], $0x400  }
0x1c: {  	[sflag:s10] =	ssyncset.done $0x0  }
0x1d: {  	[sflag:s10] =	ssyncadd.s32 $0xFFFFFC00  }
.LBB2_2:
0x1e: {  	s24 =	simm.s32 $0x0;
	s0 =	rddreg [dreg:$0x4]  }
0x1f: {  	[tilespmem:s24], [sflag:$0x1] =	stream.linear.gather [hbm4b:s0+s24], $0x1000, $0x38;
	[tilespmem:$0xB380] =	vst v63  }
0x20: {  	_ =	swait.ge [sflag:s10], $0x1000  }
0x21: {  	[sflag:s10] =	ssyncset.done $0x0  }
0x22: {  	s2 =	simm.s32 $0x1000;
	[sflag:s10] =	ssyncadd.s32 $0xFFFFF000  }
0x23: {  	[tilespmem:s2], [sflag:$0x1] =	stream.linear.gather [hbm4b:s5+s24], $0x1000, $0x38;
	[tilespmem:$0xB380] =	vst v63  }
0x24: {  	_ =	swait.ge [sflag:s10], $0x1000  }
0x25: {  	[sflag:s10] =	ssyncset.done $0x0  }
0x26: {  	s3 =	simm.s32 $0x2000;
	[sflag:s10] =	ssyncadd.s32 $0xFFFFF000  }
0x27: {  	[tilespmem:s3], [sflag:$0x1] =	stream.linear.gather [hbm4b:s4+s24], $0x6000, $0x38;
	[tilespmem:$0xB380] =	vst v63  }
0x28: {  	_ =	swait.ge [sflag:s10], $0x6000  }
0x29: {  	s1 =	simm.s32 $0x0;
	s11 =	sand.u32 $0x70, s24;
	[sflag:s10] =	ssyncset.done $0x0  }
0x2a: {  	s1 =	sor.u32 s11, s1;
	[sflag:s10] =	ssyncadd.s32 $0xFFFFA000  }
0x2b: {  	v2 =	vld [tilespmem:s1+$0x2000]  }
0x2c: {  	v3 =	vld [tilespmem:s1+$0x2080]  }
0x2d: {  	v4 =	vld [tilespmem:s1+$0x2100]  }
0x2e: {  	v5 =	vld [tilespmem:s1+$0x2180]  }
0x2f: {  	v6 =	vld [tilespmem:s1+$0x2200]  }
0x30: {  	v7 =	vld [tilespmem:s1+$0x2280]  }
0x31: {  	v8 =	vld [tilespmem:s1+$0x2300];
	v9 =	vmax.f32 v2, v3  }
0x32: {  	v10 =	vld [tilespmem:s1+$0x2380];
	v9 =	vmax.f32 v9, v4  }
0x33: {  	v11 =	vld [tilespmem:s1+$0x4000];
	v9 =	vmax.f32 v9, v5  }
0x34: {  	v12 =	vld [tilespmem:s1+$0x4080];
	v9 =	vmax.f32 v9, v6  }
0x35: {  	v13 =	vld [tilespmem:s1+$0x4100];
	v9 =	vmax.f32 v9, v7  }
0x36: {  	v14 =	vld [tilespmem:s1+$0x4180];
	v9 =	vmax.f32 v9, v8  }
0x37: {  	v15 =	vld [tilespmem:s1+$0x4200];
	v9 =	vmax.f32 v9, v10  }
0x38: {  	v16 =	vld [tilespmem:s1+$0x4280];
	v9 =	vmax.f32 v9, v11  }
0x39: {  	v17 =	vld [tilespmem:s1+$0x4300];
	v9 =	vmax.f32 v9, v12  }
0x3a: {  	v18 =	vld [tilespmem:s1+$0x4380];
	v9 =	vmax.f32 v9, v13  }
0x3b: {  	v19 =	vld [tilespmem:s1+$0x6000];
	v9 =	vmax.f32 v9, v14  }
0x3c: {  	v20 =	vld [tilespmem:s1+$0x6080];
	v9 =	vmax.f32 v9, v15  }
0x3d: {  	v21 =	vld [tilespmem:s1+$0x6100];
	v9 =	vmax.f32 v9, v16  }
0x3e: {  	v22 =	vld [tilespmem:s1+$0x6180];
	v9 =	vmax.f32 v9, v17  }
0x3f: {  	v23 =	vld [tilespmem:s1+$0x6200];
	v9 =	vmax.f32 v9, v18  }
0x40: {  	v9 =	vmax.f32 v9, v19  }
0x41: {  	v9 =	vmax.f32 v9, v20  }
0x42: {  	v9 =	vmax.f32 v9, v21  }
0x43: {  	v9 =	vmax.f32 v9, v22  }
0x44: {  	v9 =	vmax.f32 v9, v23  }
0x45: {  	v2 =	vsub.f32 v2, v9  }
0x46: {  	v3 =	vsub.f32 v3, v9  }
0x47: {  	v2 =	vmul.f32 $1.442695020e+00, v2  }
0x48: {  	v4 =	vsub.f32 v4, v9;
	v3 =	vmul.f32 $1.442695020e+00, v3  }
0x49: {  	(erf) = vpow2.f32 v2  }
0x4a: {  	v4 =	vmul.f32 $1.442695020e+00, v4;
	v2 =	vsub.f32 v5, v9;
	(erf) = vpow2.f32 v3  }
0x4b: {  	v3 =	vsub.f32 v6, v9  }
0x4c: {  	v2 =	vmul.f32 $1.442695020e+00, v2;
	(erf) = vpow2.f32 v4;
	v4 =	vsub.f32 v7, v9  }
0x4d: {  	v3 =	vmul.f32 $1.442695020e+00, v3  }
0x4e: {  	(erf) = vpow2.f32 v2;
	v4 =	vmul.f32 $1.442695020e+00, v4;
	_ =	sdelay $0x1  }
0x4f: {  	s12 =	simm.s32 $0x0;
	v2 =	vsub.f32 v8, v9;
	(erf) = vpow2.f32 v3  }
0x50: {  	s1 =	sor.u32 s11, s12  }
0x51: {  	v5 =	vld [tilespmem:s1+$0x1100];
	v3 =	vsub.f32 v10, v9;
	v2 =	vmul.f32 $1.442695020e+00, v2;
	(erf) = vpow2.f32 v4;
	v4 =	vpop (erf)  }
0x52: {  	v6 =	vsub.f32 v11, v9;
	v7 =	vpop (erf)  }
0x53: {  	v8 =	vld [tilespmem:s1+$0x1180];
	v3 =	vmul.f32 $1.442695020e+00, v3;
	(erf) = vpow2.f32 v2;
	v2 =	vadd.f32 v7, v4  }
0x54: {  	v6 =	vmul.f32 $1.442695020e+00, v6;
	v7 =	vpop (erf)  }
0x55: {  	(erf) = vpow2.f32 v3;
	v4 =	vsub.f32 v12, v9;
	v2 =	vadd.f32 v2, v7  }
0x56: {  	v5 =	vmul.f32 $1.442695020e+00, v5;
	v3 =	vsub.f32 v13, v9;
	v7 =	vpop (erf)  }
0x57: {  	(erf) = vpow2.f32 v6;
	v4 =	vmul.f32 $1.442695020e+00, v4;
	v2 =	vadd.f32 v2, v7  }
0x58: {  	v6 =	vsub.f32 v14, v9;
	(erf) = vpow2.f32 v5;
	v7 =	vmul.f32 $1.442695020e+00, v8;
	v8 =	vpop (erf)  }
0x59: {  	v3 =	vmul.f32 $1.442695020e+00, v3;
	(erf) = vpow2.f32 v4;
	v2 =	vadd.f32 v2, v8  }
0x5a: {  	v6 =	vmul.f32 $1.442695020e+00, v6;
	v4 =	vsub.f32 v15, v9;
	v5 =	vpop (erf);
	(erf) = vpow2.f32 v7  }
0x5b: {  	(erf) = vpow2.f32 v3;
	v3 =	vsub.f32 v16, v9;
	v2 =	vadd.f32 v2, v5  }
0x5c: {  	v4 =	vmul.f32 $1.442695020e+00, v4;
	v5 =	vpop (erf);
	(erf) = vpow2.f32 v6  }
0x5d: {  	v3 =	vmul.f32 $1.442695020e+00, v3;
	v2 =	vadd.f32 v2, v5;
	v5 =	vsub.f32 v17, v9  }
0x5e: {  	v6 =	vpop (erf)  }
0x5f: {  	(erf) = vpow2.f32 v4;
	v2 =	vadd.f32 v2, v6;
	v5 =	vmul.f32 $1.442695020e+00, v5  }
0x60: {  	v4 =	vsub.f32 v18, v9;
	v6 =	vpop (erf)  }
0x61: {  	(erf) = vpow2.f32 v3;
	v3 =	vpop (erf);
	v2 =	vadd.f32 v2, v6  }
0x62: {  	v4 =	vmul.f32 $1.442695020e+00, v4;
	v7 =	vpop (erf)  }
0x63: {  	v6 =	vsub.f32 v19, v9;
	(erf) = vpow2.f32 v5;
	v5 =	vpop (erf);
	v2 =	vadd.f32 v2, v7  }
0x64: {  	(erf) = vpow2.f32 v4;
	v8 =	vpop (erf)  }
0x65: {  	v7 =	vsub.f32 v20, v9;
	v6 =	vmul.f32 $1.442695020e+00, v6;
	v2 =	vadd.f32 v2, v8  }
0x66: {  	v4 =	vsub.f32 v21, v9;
	v8 =	vpop (erf)  }
0x67: {  	v7 =	vmul.f32 $1.442695020e+00, v7;
	(erf) = vpow2.f32 v6;
	v2 =	vadd.f32 v2, v8  }
0x68: {  	v4 =	vmul.f32 $1.442695020e+00, v4;
	v8 =	vpop (erf)  }
0x69: {  	v6 =	vsub.f32 v22, v9;
	(erf) = vpow2.f32 v7;
	v2 =	vadd.f32 v2, v8  }
0x6a: {  	v7 =	vsub.f32 v23, v9;
	v8 =	vpop (erf)  }
0x6b: {  	v6 =	vmul.f32 $1.442695020e+00, v6;
	(erf) = vpow2.f32 v4;
	v2 =	vadd.f32 v2, v8  }
0x6c: {  	v4 =	vpop (erf)  }
0x6d: {  	v7 =	vmul.f32 $1.442695020e+00, v7;
	(erf) = vpow2.f32 v6;
	v2 =	vadd.f32 v2, v4  }
0x6e: {  	v4 =	vpop (erf)  }
0x6f: {  	s2 =	sadd.s32 $0x0, s6;
	(erf) = vpow2.f32 v7;
	v2 =	vadd.f32 v2, v4  }
0x70: {  	s0 =	sadd.s32 s11, s2;
	v4 =	vpop (erf)  }
0x71: {  	v6 =	vld [tilespmem:s0+$0x0];
	v2 =	vadd.f32 v2, v4  }
0x72: {  	v4 =	vpop (erf)  }
0x73: {  	v58 =	vld [tilespmem:s1+$0x180];
	v2 =	vadd.f32 v2, v4  }
0x74: {  	v7 =	vld [tilespmem:s1+$0x100];
	v8 =	vpop (erf)  }
0x75: {  	v4 =	vld [tilespmem:s1+$0x0];
	v2 =	vadd.f32 v2, v8  }
0x76: {  	v6 =	vsub.f32 v6, v9;
	v59 =	vpop (erf);
	v8 =	vld [tilespmem:s1+$0x80]  }
0x77: {  	v2 =	vadd.f32 v2, v59  }
0x78: {  	v6 =	vmul.f32 $1.442695020e+00, v6;
	v60 =	vpop (erf)  }
0x79: {  	v61 =	vld [tilespmem:s1+$0x1000];
	v2 =	vadd.f32 v2, v60  }
0x7a: {  	v62 =	vld [tilespmem:s1+$0x1080];
	(erf) = vpow2.f32 v6;
	v7 =	vsub.f32 v7, v4  }
0x7b: {  	v6 =	vsub.f32 v58, v8;
	(erf) = vrcp.f32 v2  }
0x7c: {  	v2 =	vmul.f32 $5.000000000e-01, v7  }
0x7d: {  	v3 =	vmul.f32 v3, v7;
	v10 =	vmul.f32 $5.000000000e-01, v6  }
0x7e: {  	v7 =	vmul.f32 v61, v7;
	v5 =	vmul.f32 v5, v6;
	v2 =	vadd.f32 v2, v4  }
0x7f: {  	v6 =	vmul.f32 v62, v6;
	v4 =	vadd.f32 v10, v8  }
0x80: {  	v3 =	vmul.f32 $5.000000000e-01, v3;
	v5 =	vmul.f32 $5.000000000e-01, v5;
	v2 =	vadd.f32 v2, v7  }
0x81: {  	v4 =	vadd.f32 v4, v6  }
0x82: {  	v6 =	vsub.f32 v2, v3;
	v2 =	vadd.f32 v3, v2  }
0x83: {  	v7 =	vpop (erf);
	v3 =	vsub.f32 v4, v5  }
0x84: {  	v4 =	vadd.f32 v5, v4;
	v6 =	vmax.f32 v6, $0.0e+00;
	v2 =	vmax.f32 v2, $0.0e+00;
	v5 =	vpop (erf)  }
0x85: {  	v3 =	vmax.f32 v3, $0.0e+00;
	v2 =	vmin.f32 v2, $6.000000000e+02;
	v5 =	vmul.f32 v5, v7  }
0x86: {  	v4 =	vmax.f32 v4, $0.0e+00;
	v6 =	vmin.f32 v6, $6.000000000e+02;
	[tilespmem:s1+$0x8100] =	vst v2;
	v7 =	vor.u32 s24, v0  }
0x87: {  	v4 =	vmin.f32 v4, $8.000000000e+02;
	[tilespmem:s1+$0x8000] =	vst v6;
	vm2 =	vlt.u32 v7, $0x3E8;
	vm1 =	vgt.f32 v5, $5.000000070e-02  }
0x88: {  	v3 =	vmin.f32 v3, $8.000000000e+02;
	[tilespmem:s1+$0x8180] =	vst v4;
	vm1 =	vmand vm2, vm1  }
0x89: {  	[tilespmem:s1+$0x8080] =	vst v3;
	v5 =	vnsel vm1, $0x0, v5  }
0x8a: {  	v8 =	vsub.f32 v2, v6;
	v63 =	vsub.f32 v4, v3;
	[tilespmem:s16+$0x0] =	vst v1;
	vm1 =	vgt.f32 v5, $0.0e+00  }
0x8b: {  	[tilespmem:s24+$0x9000] =	vst.msk vm1, v6  }
0x8c: {  	v6 =	vmax.f32 v8, $0.0e+00;
	v8 =	vmax.f32 v63, $0.0e+00;
	[tilespmem:s24+$0x9480] =	vst.msk vm1, v3  }
0x8d: {  	v3 =	vmul.f32 v8, v6;
	[tilespmem:s24+$0x9900] =	vst.msk vm1, v2  }
0x8e: {  	[tilespmem:s24+$0x9D80] =	vst.msk vm1, v4  }
0x8f: {  	[tilespmem:s24+$0xA200] =	vst.msk vm1, v3  }
0x90: {  	[tilespmem:s24+$0xA680] =	vst.msk vm1, v5;
	v5 =	vmpcnt.ones.xlane vm1;
	_ =	sdelay $0x1  }
0x91: {  	(v2sf) =	vpush v5, $0x0  }
0x92: {  	s28 =	simm.s32 $0x10  }
0x93: {  	s13 =	simm.s32 $0x0;
	s0 =	sand.u32 $0x70, s28  }
0x94: {  	s11 =	sor.u32 s0, s13;
	[tilespmem:s24+$0xAB00] =	vst.msk vm1, v7  }
0x95: {  	v2 =	vld [tilespmem:s11+$0x2000]  }
0x96: {  	s26 =	simm.s32 $0x20;
	v3 =	vld [tilespmem:s11+$0x2080]  }
0x97: {  	s14 =	sadd.s32 $0x0, s6;
	s15 =	simm.s32 $0x0;
	s12 =	sand.u32 $0x70, s26;
	v4 =	vld [tilespmem:s11+$0x2100]  }
0x98: {  	s25 =	simm.s32 $0xAF90;
	s29 =	sadd.s32 $0x0, s6;
	s15 =	sor.u32 s12, s15;
	v7 =	vld [tilespmem:s11+$0x2180]  }
0x99: {  	s30 =	sadd.s32 s12, s29;
	s29 =	simm.s32 $0xAF90;
	s31 =	sadd.s32 s0, s14;
	v6 =	vld [tilespmem:s11+$0x2200]  }
0x9a: {  	s14 =	simm.s32 $0x3;
	s13 =	simm.s32 $0x0;
	s1 =	simm.s32 $0x0;
	v5 =	vld [tilespmem:s11+$0x2280]  }
.LBB2_3:
0x9b: {  	p0 =	sne.s32 s14, $0x3F  }
0x9c: {  	v8 =	vld [tilespmem:s11+$0x2300];
	v9 =	vmax.f32 v2, v3;
	s25 =	sadd.s32 $0x10, s25;
	s2 =	smov.u32 s14;
	s14 =	sadd.s32 $0x1, s14  }
0x9d: {  	v10 =	vld [tilespmem:s11+$0x2380];
	v9 =	vmax.f32 v9, v4  }
0x9e: {  	v11 =	vld [tilespmem:s11+$0x4000];
	v9 =	vmax.f32 v9, v7  }
0x9f: {  	v12 =	vld [tilespmem:s11+$0x4080];
	v9 =	vmax.f32 v9, v6  }
0xa0: {  	v13 =	vld [tilespmem:s11+$0x4100];
	v9 =	vmax.f32 v9, v5;
	s3 =	spop (v2sf)  }
0xa1: {  	v14 =	vld [tilespmem:s11+$0x4180];
	v9 =	vmax.f32 v9, v8;
	s24 =	sadd.s32 s24, s3  }
0xa2: {  	v15 =	vld [tilespmem:s11+$0x4200];
	v9 =	vmax.f32 v9, v10  }
0xa3: {  	v16 =	vld [tilespmem:s11+$0x4280];
	v9 =	vmax.f32 v9, v11  }
0xa4: {  	v17 =	vld [tilespmem:s11+$0x4300];
	v9 =	vmax.f32 v9, v12  }
0xa5: {  	v18 =	vld [tilespmem:s11+$0x4380];
	v9 =	vmax.f32 v9, v13  }
0xa6: {  	v19 =	vld [tilespmem:s11+$0x6000];
	v9 =	vmax.f32 v9, v14  }
0xa7: {  	v20 =	vld [tilespmem:s11+$0x6080];
	v9 =	vmax.f32 v9, v15  }
0xa8: {  	v21 =	vld [tilespmem:s11+$0x6100];
	v9 =	vmax.f32 v9, v16  }
0xa9: {  	v22 =	vld [tilespmem:s11+$0x6180];
	v9 =	vmax.f32 v9, v17  }
0xaa: {  	v23 =	vld [tilespmem:s11+$0x6200];
	v9 =	vmax.f32 v9, v18;
	s11 =	smov.u32 s15  }
0xab: {  	v9 =	vmax.f32 v9, v19  }
0xac: {  	v9 =	vmax.f32 v9, v20  }
0xad: {  	v9 =	vmax.f32 v9, v21  }
0xae: {  	v9 =	vmax.f32 v9, v22  }
0xaf: {  	v9 =	vmax.f32 v9, v23  }
0xb0: {  	v2 =	vsub.f32 v2, v9;
	v3 =	vsub.f32 v3, v9  }
0xb1: {  	v4 =	vsub.f32 v4, v9;
	v7 =	vsub.f32 v7, v9  }
0xb2: {  	v6 =	vsub.f32 v6, v9;
	v2 =	vmul.f32 $1.442695020e+00, v2;
	v3 =	vmul.f32 $1.442695020e+00, v3  }
0xb3: {  	s15 =	sor.u32 s0, s1;
	s0 =	smov.u32 s12;
	s1 =	smov.u32 s13;
	v5 =	vsub.f32 v5, v9;
	v4 =	vmul.f32 $1.442695020e+00, v4;
	v7 =	vmul.f32 $1.442695020e+00, v7  }
0xb4: {  	v8 =	vsub.f32 v8, v9;
	v6 =	vmul.f32 $1.442695020e+00, v6;
	v24 =	vld [tilespmem:s15+$0x1180];
	(erf) = vpow2.f32 v2  }
0xb5: {  	v2 =	vmul.f32 $1.442695020e+00, v5;
	v5 =	vsub.f32 v10, v9;
	v10 =	vld [tilespmem:s15+$0x1100];
	(erf) = vpow2.f32 v3  }
0xb6: {  	v3 =	vmul.f32 $1.442695020e+00, v8;
	v8 =	vsub.f32 v11, v9;
	(erf) = vpow2.f32 v4  }
0xb7: {  	v11 =	vsub.f32 v13, v9;
	v4 =	vmul.f32 $1.442695020e+00, v5;
	v5 =	vsub.f32 v12, v9  }
0xb8: {  	v12 =	vsub.f32 v14, v9;
	v8 =	vmul.f32 $1.442695020e+00, v8;
	(erf) = vpow2.f32 v7  }
0xb9: {  	v5 =	vmul.f32 $1.442695020e+00, v5;
	v7 =	vmul.f32 $1.442695020e+00, v11;
	v11 =	vsub.f32 v15, v9  }
0xba: {  	v13 =	vsub.f32 v16, v9;
	v12 =	vmul.f32 $1.442695020e+00, v12;
	(erf) = vpow2.f32 v6  }
0xbb: {  	v14 =	vsub.f32 v18, v9;
	v6 =	vmul.f32 $1.442695020e+00, v11;
	v11 =	vsub.f32 v17, v9  }
0xbc: {  	v13 =	vmul.f32 $1.442695020e+00, v13;
	v15 =	vsub.f32 v19, v9;
	(erf) = vpow2.f32 v2  }
0xbd: {  	v2 =	vmul.f32 $1.442695020e+00, v11;
	v11 =	vmul.f32 $1.442695020e+00, v14;
	v14 =	vsub.f32 v20, v9;
	v16 =	vld [tilespmem:s31+$0x0];
	v17 =	vpop (erf);
	s31 =	smov.u32 s30  }
0xbe: {  	v18 =	vsub.f32 v21, v9;
	v15 =	vmul.f32 $1.442695020e+00, v15;
	v19 =	vpop (erf);
	(erf) = vpow2.f32 v3  }
0xbf: {  	v21 =	vsub.f32 v22, v9;
	v14 =	vmul.f32 $1.442695020e+00, v14;
	v3 =	vadd.f32 v19, v17;
	v19 =	vpop (erf)  }
0xc0: {  	v18 =	vmul.f32 $1.442695020e+00, v18;
	v20 =	vsub.f32 v23, v9;
	(erf) = vpow2.f32 v4  }
0xc1: {  	v10 =	vmul.f32 $1.442695020e+00, v10;
	v4 =	vmul.f32 $1.442695020e+00, v21;
	v3 =	vadd.f32 v3, v19;
	v17 =	vpop (erf)  }
0xc2: {  	v19 =	vmul.f32 $1.442695020e+00, v20;
	v9 =	vsub.f32 v16, v9;
	(erf) = vpow2.f32 v8  }
0xc3: {  	v16 =	vmul.f32 $1.442695020e+00, v24;
	v3 =	vadd.f32 v3, v17;
	v8 =	vld [tilespmem:s15+$0x100];
	v17 =	vpop (erf);
	(erf) = vpow2.f32 v10  }
0xc4: {  	v9 =	vmul.f32 $1.442695020e+00, v9;
	v10 =	vld [tilespmem:s15+$0x0];
	(erf) = vpow2.f32 v5  }
0xc5: {  	v3 =	vadd.f32 v3, v17;
	v5 =	vld [tilespmem:s15+$0x180];
	v17 =	vpop (erf);
	(erf) = vpow2.f32 v16  }
0xc6: {  	v16 =	vld [tilespmem:s15+$0x80];
	(erf) = vpow2.f32 v7  }
0xc7: {  	v3 =	vadd.f32 v3, v17;
	v7 =	vpop (erf)  }
0xc8: {  	(erf) = vpow2.f32 v12  }
0xc9: {  	v3 =	vadd.f32 v3, v7;
	v7 =	vsub.f32 v8, v10;
	v8 =	vld [tilespmem:s15+$0x1000];
	v12 =	vpop (erf)  }
0xca: {  	(erf) = vpow2.f32 v6  }
0xcb: {  	v3 =	vadd.f32 v3, v12;
	v5 =	vsub.f32 v5, v16;
	v6 =	vmul.f32 $5.000000000e-01, v7;
	v12 =	vpop (erf)  }
0xcc: {  	v17 =	vld [tilespmem:s15+$0x1080];
	(erf) = vpow2.f32 v13;
	v13 =	vpop (erf)  }
0xcd: {  	v3 =	vadd.f32 v3, v12;
	v21 =	vmul.f32 $5.000000000e-01, v5;
	v13 =	vmul.f32 v13, v7;
	v20 =	vpop (erf)  }
0xce: {  	v6 =	vadd.f32 v6, v10;
	v22 =	vmul.f32 v8, v7;
	(erf) = vpow2.f32 v2;
	v2 =	vpop (erf)  }
0xcf: {  	v3 =	vadd.f32 v3, v20;
	v8 =	vadd.f32 v21, v16;
	v10 =	vmul.f32 $5.000000000e-01, v13;
	v12 =	vpop (erf)  }
0xd0: {  	v2 =	vmul.f32 v2, v5;
	v6 =	vadd.f32 v6, v22;
	(erf) = vpow2.f32 v11  }
0xd1: {  	v3 =	vadd.f32 v3, v12;
	v5 =	vmul.f32 v17, v5;
	v7 =	vpop (erf)  }
0xd2: {  	v11 =	vsub.f32 v6, v10;
	v6 =	vadd.f32 v10, v6;
	(erf) = vpow2.f32 v15  }
0xd3: {  	v2 =	vmul.f32 $5.000000000e-01, v2;
	v3 =	vadd.f32 v3, v7;
	v5 =	vadd.f32 v8, v5;
	v7 =	vpop (erf)  }
0xd4: {  	v8 =	vmax.f32 v11, $0.0e+00;
	(erf) = vpow2.f32 v14  }
0xd5: {  	v6 =	vmax.f32 v6, $0.0e+00;
	v3 =	vadd.f32 v3, v7;
	v11 =	vsub.f32 v5, v2;
	v10 =	vpop (erf)  }
0xd6: {  	v2 =	vadd.f32 v2, v5;
	(erf) = vpow2.f32 v18  }
0xd7: {  	v3 =	vadd.f32 v3, v10;
	v5 =	vmax.f32 v11, $0.0e+00;
	v7 =	vpop (erf)  }
0xd8: {  	v2 =	vmax.f32 v2, $0.0e+00;
	(erf) = vpow2.f32 v4  }
0xd9: {  	v3 =	vadd.f32 v3, v7;
	v4 =	vpop (erf)  }
0xda: {  	(erf) = vpow2.f32 v19  }
0xdb: {  	v3 =	vadd.f32 v3, v4;
	v4 =	vpop (erf);
	_ =	sdelay $0x1  }
0xdc: {  	v3 =	vadd.f32 v3, v4;
	v4 =	vpop (erf);
	_ =	sdelay $0x1  }
0xdd: {  	v3 =	vadd.f32 v3, v4;
	v4 =	vpop (erf);
	_ =	sdelay $0x1  }
0xde: {  	v3 =	vadd.f32 v3, v4;
	v4 =	vpop (erf)  }
0xdf: {  	v6 =	vmin.f32 v6, $6.000000000e+02;
	v7 =	vmin.f32 v8, $6.000000000e+02  }
0xe0: {  	v3 =	vadd.f32 v3, v4;
	v4 =	vsub.f32 v6, v7;
	[tilespmem:s15+$0x8100] =	vst v6;
	v8 =	vpop (erf)  }
0xe1: {  	v5 =	vmin.f32 v5, $8.000000000e+02;
	v2 =	vmin.f32 v2, $8.000000000e+02;
	[tilespmem:s15+$0x8000] =	vst v7  }
0xe2: {  	v3 =	vadd.f32 v3, v8;
	v8 =	vsub.f32 v2, v5;
	[tilespmem:s15+$0x8180] =	vst v2  }
0xe3: {  	[tilespmem:s15+$0x8080] =	vst v5;
	(erf) = vpow2.f32 v9  }
0xe4: {  	[tilespmem:s29+$0x0] =	vst v1;
	(erf) = vrcp.f32 v3;
	s29 =	smov.u32 s25;
	_ =	sdelay $0x7  }
0xe5: {  	v3 =	vpop (erf)  }
0xe6: {  	v9 =	vpop (erf)  }
0xe7: {  	v3 =	vmul.f32 v9, v3  }
0xe8: {  	v9 =	vor.u32 s28, v0;
	s28 =	smov.u32 s26  }
0xe9: {  	vm2 =	vlt.u32 v9, $0x3E8;
	vm1 =	vgt.f32 v3, $5.000000070e-02  }
0xea: {  	vm1 =	vmand vm2, vm1  }
0xeb: {  	v3 =	vnsel vm1, $0x0, v3  }
0xec: {  	vm1 =	vgt.f32 v3, $0.0e+00  }
0xed: {  	[tilespmem:s24+$0x9000] =	vst.msk vm1, v7;
	v7 =	vmpcnt.ones.xlane vm1  }
0xee: {  	s2 =	sshrl.u32 s2, $0x3;
	v4 =	vmax.f32 v4, $0.0e+00;
	v8 =	vmax.f32 v8, $0.0e+00;
	s26 =	sadd.s32 $0x10, s26;
	[tilespmem:s24+$0x9480] =	vst.msk vm1, v5  }
0xef: {  	s3 =	sshll.u32 s2, $0xA;
	s13 =	sshll.u32 s2, $0x9;
	v4 =	vmul.f32 v8, v4;
	s12 =	sand.u32 $0x70, s26;
	[tilespmem:s24+$0x9900] =	vst.msk vm1, v6;
	(v2sf) =	vpush v7, $0x0  }
0xf0: {  	s2 =	sadd.s32 s3, s6;
	s15 =	sor.u32 s12, s3;
	[tilespmem:s24+$0x9D80] =	vst.msk vm1, v2  }
0xf1: {  	s30 =	sadd.s32 s12, s2;
	[tilespmem:s24+$0xA200] =	vst.msk vm1, v4  }
0xf2: {  	[tilespmem:s24+$0xA680] =	vst.msk vm1, v3  }
0xf3: {  	[tilespmem:s24+$0xAB00] =	vst.msk vm1, v9  }
0xf4: {  	v2 =	vld [tilespmem:s11+$0x2000]  }
.Ltmp3:
0xf5: {  	v3 =	vld [tilespmem:s11+$0x2080];
	(pc) =	sbr.rel @p0 .LBB2_3-.Ltmp3, $4  }
0xf6: {  	v4 =	vld [tilespmem:s11+$0x2100]  }
0xf7: {  	v7 =	vld [tilespmem:s11+$0x2180]  }
0xf8: {  	v6 =	vld [tilespmem:s11+$0x2200]  }
0xf9: {  	v5 =	vld [tilespmem:s11+$0x2280]  }
0xfa: {  	v8 =	vld [tilespmem:s11+$0x2300];
	v9 =	vmax.f32 v2, v3  }
0xfb: {  	v10 =	vld [tilespmem:s11+$0x2380];
	v9 =	vmax.f32 v9, v4  }
0xfc: {  	v11 =	vld [tilespmem:s11+$0x4000];
	v9 =	vmax.f32 v9, v7  }
0xfd: {  	v12 =	vld [tilespmem:s11+$0x4080];
	v9 =	vmax.f32 v9, v6  }
0xfe: {  	v13 =	vld [tilespmem:s11+$0x4100];
	v9 =	vmax.f32 v9, v5  }
0xff: {  	v14 =	vld [tilespmem:s11+$0x4180];
	v9 =	vmax.f32 v9, v8  }
0x100: {  	v15 =	vld [tilespmem:s11+$0x4200];
	v9 =	vmax.f32 v9, v10  }
0x101: {  	v16 =	vld [tilespmem:s11+$0x4280];
	v9 =	vmax.f32 v9, v11  }
0x102: {  	v17 =	vld [tilespmem:s11+$0x4300];
	v9 =	vmax.f32 v9, v12  }
0x103: {  	v18 =	vld [tilespmem:s11+$0x4380];
	v9 =	vmax.f32 v9, v13  }
0x104: {  	v19 =	vld [tilespmem:s11+$0x6000];
	v9 =	vmax.f32 v9, v14  }
0x105: {  	v20 =	vld [tilespmem:s11+$0x6080];
	v9 =	vmax.f32 v9, v15  }
0x106: {  	v21 =	vld [tilespmem:s11+$0x6100];
	v9 =	vmax.f32 v9, v16  }
0x107: {  	v22 =	vld [tilespmem:s11+$0x6180];
	v9 =	vmax.f32 v9, v17  }
0x108: {  	v23 =	vld [tilespmem:s11+$0x6200];
	v9 =	vmax.f32 v9, v18  }
0x109: {  	v9 =	vmax.f32 v9, v19  }
0x10a: {  	v9 =	vmax.f32 v9, v20  }
0x10b: {  	v9 =	vmax.f32 v9, v21  }
0x10c: {  	v9 =	vmax.f32 v9, v22  }
0x10d: {  	v9 =	vmax.f32 v9, v23  }
0x10e: {  	v2 =	vsub.f32 v2, v9  }
0x10f: {  	v3 =	vsub.f32 v3, v9  }
0x110: {  	v2 =	vmul.f32 $1.442695020e+00, v2  }
0x111: {  	v33 =	vsub.f32 v4, v9;
	v3 =	vmul.f32 $1.442695020e+00, v3  }
0x112: {  	(erf) = vpow2.f32 v2  }
0x113: {  	v4 =	vmul.f32 $1.442695020e+00, v33;
	v2 =	vsub.f32 v7, v9;
	(erf) = vpow2.f32 v3;
	_ =	sdelay $0x1  }
0x114: {  	v3 =	vsub.f32 v6, v9;
	v2 =	vmul.f32 $1.442695020e+00, v2;
	(erf) = vpow2.f32 v4;
	_ =	sdelay $0x1  }
0x115: {  	v34 =	vsub.f32 v5, v9;
	v3 =	vmul.f32 $1.442695020e+00, v3;
	(erf) = vpow2.f32 v2;
	_ =	sdelay $0x1  }
0x116: {  	v4 =	vmul.f32 $1.442695020e+00, v34;
	v2 =	vsub.f32 v8, v9;
	(erf) = vpow2.f32 v3  }
0x117: {  	s0 =	sor.u32 s0, s1  }
0x118: {  	v35 =	vld [tilespmem:s0+$0x1100];
	v3 =	vsub.f32 v10, v9;
	v2 =	vmul.f32 $1.442695020e+00, v2;
	(erf) = vpow2.f32 v4;
	v36 =	vpop (erf)  }
0x119: {  	v37 =	vsub.f32 v11, v9;
	v38 =	vpop (erf)  }
0x11a: {  	v39 =	vld [tilespmem:s0+$0x1180];
	v3 =	vmul.f32 $1.442695020e+00, v3;
	(erf) = vpow2.f32 v2;
	v2 =	vadd.f32 v38, v36  }
0x11b: {  	v40 =	vsub.f32 v12, v9;
	v41 =	vpop (erf)  }
0x11c: {  	v6 =	vmul.f32 $1.442695020e+00, v37;
	(erf) = vpow2.f32 v3;
	v2 =	vadd.f32 v2, v41  }
0x11d: {  	v5 =	vmul.f32 $1.442695020e+00, v35;
	v4 =	vmul.f32 $1.442695020e+00, v40;
	v42 =	vpop (erf)  }
0x11e: {  	v3 =	vsub.f32 v13, v9;
	(erf) = vpow2.f32 v6;
	v2 =	vadd.f32 v2, v42  }
0x11f: {  	v44 =	vmul.f32 $1.442695020e+00, v39;
	v43 =	vsub.f32 v14, v9;
	(erf) = vpow2.f32 v5;
	v45 =	vpop (erf)  }
0x120: {  	v3 =	vmul.f32 $1.442695020e+00, v3;
	(erf) = vpow2.f32 v4;
	v2 =	vadd.f32 v2, v45  }
0x121: {  	v46 =	vsub.f32 v15, v9;
	v6 =	vmul.f32 $1.442695020e+00, v43;
	v47 =	vpop (erf);
	(erf) = vpow2.f32 v44  }
0x122: {  	(erf) = vpow2.f32 v3;
	v3 =	vsub.f32 v16, v9;
	v2 =	vadd.f32 v2, v47  }
0x123: {  	v4 =	vmul.f32 $1.442695020e+00, v46;
	v48 =	vpop (erf)  }
0x124: {  	(erf) = vpow2.f32 v6;
	v3 =	vmul.f32 $1.442695020e+00, v3;
	v2 =	vadd.f32 v2, v48  }
0x125: {  	v50 =	vpop (erf)  }
0x126: {  	v49 =	vsub.f32 v17, v9;
	(erf) = vpow2.f32 v4;
	v2 =	vadd.f32 v2, v50  }
0x127: {  	v51 =	vsub.f32 v18, v9;
	v52 =	vpop (erf)  }
0x128: {  	v5 =	vmul.f32 $1.442695020e+00, v49;
	(erf) = vpow2.f32 v3;
	v3 =	vpop (erf);
	v2 =	vadd.f32 v2, v52  }
0x129: {  	v53 =	vsub.f32 v19, v9;
	v54 =	vpop (erf)  }
0x12a: {  	v4 =	vmul.f32 $1.442695020e+00, v51;
	(erf) = vpow2.f32 v5;
	v55 =	vpop (erf);
	v2 =	vadd.f32 v2, v54  }
0x12b: {  	v56 =	vsub.f32 v20, v9;
	v57 =	vpop (erf)  }
0x12c: {  	v6 =	vmul.f32 $1.442695020e+00, v53;
	(erf) = vpow2.f32 v4;
	v2 =	vadd.f32 v2, v57  }
0x12d: {  	v58 =	vsub.f32 v21, v9;
	v59 =	vpop (erf)  }
0x12e: {  	v7 =	vmul.f32 $1.442695020e+00, v56;
	(erf) = vpow2.f32 v6;
	v2 =	vadd.f32 v2, v59  }
0x12f: {  	v60 =	vsub.f32 v22, v9;
	v61 =	vpop (erf)  }
0x130: {  	v4 =	vmul.f32 $1.442695020e+00, v58;
	(erf) = vpow2.f32 v7;
	v2 =	vadd.f32 v2, v61  }
0x131: {  	v62 =	vsub.f32 v23, v9;
	v63 =	vpop (erf)  }
0x132: {  	v6 =	vmul.f32 $1.442695020e+00, v60;
	(erf) = vpow2.f32 v4;
	v2 =	vadd.f32 v2, v63  }
0x133: {  	v11 =	vpop (erf)  }
0x134: {  	v7 =	vmul.f32 $1.442695020e+00, v62;
	(erf) = vpow2.f32 v6;
	v2 =	vadd.f32 v2, v11  }
0x135: {  	v12 =	vpop (erf)  }
0x136: {  	(erf) = vpow2.f32 v7;
	v2 =	vadd.f32 v2, v12  }
0x137: {  	v13 =	vpop (erf)  }
0x138: {  	v14 =	vld [tilespmem:s31+$0x0];
	v2 =	vadd.f32 v2, v13  }
0x139: {  	v15 =	vpop (erf)  }
0x13a: {  	v17 =	vld [tilespmem:s0+$0x0];
	v2 =	vadd.f32 v2, v15  }
0x13b: {  	v19 =	vld [tilespmem:s0+$0x180];
	v18 =	vpop (erf)  }
0x13c: {  	v16 =	vld [tilespmem:s0+$0x100];
	v2 =	vadd.f32 v2, v18  }
0x13d: {  	v20 =	vld [tilespmem:s0+$0x80];
	v6 =	vsub.f32 v14, v9;
	v21 =	vpop (erf)  }
0x13e: {  	v2 =	vadd.f32 v2, v21  }
0x13f: {  	v6 =	vmul.f32 $1.442695020e+00, v6;
	v22 =	vpop (erf)  }
0x140: {  	v23 =	vld [tilespmem:s0+$0x1000];
	v2 =	vadd.f32 v2, v22  }
0x141: {  	v24 =	vld [tilespmem:s0+$0x1080];
	v7 =	vsub.f32 v16, v17;
	(erf) = vpow2.f32 v6  }
0x142: {  	v25 =	vsub.f32 v19, v20;
	(erf) = vrcp.f32 v2  }
0x143: {  	v2 =	vmul.f32 $5.000000000e-01, v7  }
0x144: {  	v10 =	vmul.f32 $5.000000000e-01, v25  }
0x145: {  	v3 =	vmul.f32 v3, v7;
	v7 =	vmul.f32 v23, v7;
	v2 =	vadd.f32 v2, v17  }
0x146: {  	v26 =	vadd.f32 v10, v20;
	v6 =	vmul.f32 v24, v25  }
0x147: {  	v5 =	vmul.f32 v55, v25;
	v3 =	vmul.f32 $5.000000000e-01, v3;
	v2 =	vadd.f32 v2, v7  }
0x148: {  	v4 =	vadd.f32 v26, v6  }
0x149: {  	v5 =	vmul.f32 $5.000000000e-01, v5;
	v27 =	vsub.f32 v2, v3;
	v2 =	vadd.f32 v3, v2  }
0x14a: {  	v30 =	vor.u32 s28, v0;
	v28 =	vpop (erf)  }
0x14b: {  	v3 =	vsub.f32 v4, v5;
	v4 =	vadd.f32 v5, v4;
	v2 =	vmax.f32 v2, $0.0e+00;
	v29 =	vpop (erf)  }
0x14c: {  	v6 =	vmax.f32 v27, $0.0e+00;
	v2 =	vmin.f32 v2, $6.000000000e+02;
	v5 =	vmul.f32 v29, v28  }
0x14d: {  	vm2 =	vlt.u32 v30, $0x3E8;
	v4 =	vmax.f32 v4, $0.0e+00;
	v6 =	vmin.f32 v6, $6.000000000e+02;
	[tilespmem:s0+$0x8100] =	vst v2  }
0x14e: {  	v3 =	vmax.f32 v3, $0.0e+00;
	v4 =	vmin.f32 v4, $8.000000000e+02;
	[tilespmem:s0+$0x8000] =	vst v6;
	vm1 =	vgt.f32 v5, $5.000000070e-02  }
0x14f: {  	v3 =	vmin.f32 v3, $8.000000000e+02;
	[tilespmem:s0+$0x8180] =	vst v4;
	vm1 =	vmand vm2, vm1  }
0x150: {  	s14 =	spop (v2sf);
	[tilespmem:s0+$0x8080] =	vst v3;
	v5 =	vnsel vm1, $0x0, v5  }
0x151: {  	s24 =	sadd.s32 s24, s14;
	v31 =	vsub.f32 v2, v6;
	v32 =	vsub.f32 v4, v3;
	[tilespmem:s29+$0x0] =	vst v1;
	vm1 =	vgt.f32 v5, $0.0e+00  }
0x152: {  	[tilespmem:s24+$0x9000] =	vst.msk vm1, v6  }
0x153: {  	v33 =	vmax.f32 v31, $0.0e+00;
	v34 =	vmax.f32 v32, $0.0e+00;
	[tilespmem:s24+$0x9480] =	vst.msk vm1, v3  }
0x154: {  	v3 =	vmul.f32 v34, v33;
	[tilespmem:s24+$0x9900] =	vst.msk vm1, v2  }
0x155: {  	[tilespmem:s24+$0x9D80] =	vst.msk vm1, v4  }
0x156: {  	[tilespmem:s24+$0xA200] =	vst.msk vm1, v3  }
0x157: {  	[tilespmem:s24+$0xA680] =	vst.msk vm1, v5  }
0x158: {  	[tilespmem:s24+$0xAB00] =	vst.msk vm1, v30  }
0x159: {  	v2 =	vld [tilespmem:s15+$0x2000]  }
0x15a: {  	v3 =	vld [tilespmem:s15+$0x2080]  }
0x15b: {  	v4 =	vld [tilespmem:s15+$0x2100]  }
0x15c: {  	v5 =	vld [tilespmem:s15+$0x2180]  }
0x15d: {  	v35 =	vld [tilespmem:s15+$0x2200]  }
0x15e: {  	v7 =	vld [tilespmem:s15+$0x2280]  }
0x15f: {  	v36 =	vld [tilespmem:s15+$0x2300];
	v37 =	vmax.f32 v2, v3  }
0x160: {  	v38 =	vld [tilespmem:s15+$0x2380];
	v9 =	vmax.f32 v37, v4  }
0x161: {  	v39 =	vld [tilespmem:s15+$0x4000];
	v9 =	vmax.f32 v9, v5  }
0x162: {  	v40 =	vld [tilespmem:s15+$0x4080];
	v9 =	vmax.f32 v9, v35  }
0x163: {  	v41 =	vld [tilespmem:s15+$0x4100];
	v9 =	vmax.f32 v9, v7  }
0x164: {  	v42 =	vld [tilespmem:s15+$0x4180];
	v9 =	vmax.f32 v9, v36  }
0x165: {  	v43 =	vld [tilespmem:s15+$0x4200];
	v9 =	vmax.f32 v9, v38  }
0x166: {  	v44 =	vld [tilespmem:s15+$0x4280];
	v9 =	vmax.f32 v9, v39  }
0x167: {  	v45 =	vld [tilespmem:s15+$0x4300];
	v9 =	vmax.f32 v9, v40  }
0x168: {  	v46 =	vld [tilespmem:s15+$0x4380];
	v9 =	vmax.f32 v9, v41  }
0x169: {  	v47 =	vld [tilespmem:s15+$0x6000];
	v9 =	vmax.f32 v9, v42  }
0x16a: {  	v48 =	vld [tilespmem:s15+$0x6080];
	v9 =	vmax.f32 v9, v43  }
0x16b: {  	v49 =	vld [tilespmem:s15+$0x6100];
	v9 =	vmax.f32 v9, v44  }
0x16c: {  	v50 =	vld [tilespmem:s15+$0x6180];
	v9 =	vmax.f32 v9, v45  }
0x16d: {  	v51 =	vld [tilespmem:s15+$0x6200];
	v9 =	vmax.f32 v9, v46  }
0x16e: {  	v9 =	vmax.f32 v9, v47  }
0x16f: {  	v9 =	vmax.f32 v9, v48  }
0x170: {  	v9 =	vmax.f32 v9, v49  }
0x171: {  	v9 =	vmax.f32 v9, v50  }
0x172: {  	v9 =	vmax.f32 v9, v51  }
0x173: {  	v2 =	vsub.f32 v2, v9  }
0x174: {  	v3 =	vsub.f32 v3, v9  }
0x175: {  	v2 =	vmul.f32 $1.442695020e+00, v2  }
0x176: {  	v4 =	vsub.f32 v4, v9;
	v3 =	vmul.f32 $1.442695020e+00, v3  }
0x177: {  	(erf) = vpow2.f32 v2  }
0x178: {  	v4 =	vmul.f32 $1.442695020e+00, v4;
	v2 =	vsub.f32 v5, v9;
	(erf) = vpow2.f32 v3;
	_ =	sdelay $0x1  }
0x179: {  	v3 =	vsub.f32 v35, v9;
	v2 =	vmul.f32 $1.442695020e+00, v2;
	(erf) = vpow2.f32 v4;
	_ =	sdelay $0x1  }
0x17a: {  	v52 =	vsub.f32 v7, v9;
	v3 =	vmul.f32 $1.442695020e+00, v3;
	(erf) = vpow2.f32 v2;
	_ =	sdelay $0x1  }
0x17b: {  	v4 =	vmul.f32 $1.442695020e+00, v52;
	v2 =	vsub.f32 v36, v9;
	(erf) = vpow2.f32 v3  }
0x17c: {  	s28 =	sor.u32 s12, s13  }
0x17d: {  	v53 =	vld [tilespmem:s28+$0x1100];
	v3 =	vsub.f32 v38, v9;
	v2 =	vmul.f32 $1.442695020e+00, v2;
	(erf) = vpow2.f32 v4;
	v54 =	vpop (erf)  }
0x17e: {  	v55 =	vsub.f32 v39, v9;
	v56 =	vpop (erf)  }
0x17f: {  	v57 =	vld [tilespmem:s28+$0x1180];
	v3 =	vmul.f32 $1.442695020e+00, v3;
	(erf) = vpow2.f32 v2;
	v2 =	vadd.f32 v56, v54  }
0x180: {  	v58 =	vsub.f32 v40, v9;
	v59 =	vpop (erf)  }
0x181: {  	v6 =	vmul.f32 $1.442695020e+00, v55;
	(erf) = vpow2.f32 v3;
	v2 =	vadd.f32 v2, v59  }
0x182: {  	v5 =	vmul.f32 $1.442695020e+00, v53;
	v4 =	vmul.f32 $1.442695020e+00, v58;
	v60 =	vpop (erf)  }
0x183: {  	v3 =	vsub.f32 v41, v9;
	(erf) = vpow2.f32 v6;
	v2 =	vadd.f32 v2, v60  }
0x184: {  	v62 =	vmul.f32 $1.442695020e+00, v57;
	v61 =	vsub.f32 v42, v9;
	(erf) = vpow2.f32 v5;
	v63 =	vpop (erf)  }
0x185: {  	v3 =	vmul.f32 $1.442695020e+00, v3;
	(erf) = vpow2.f32 v4;
	v2 =	vadd.f32 v2, v63  }
0x186: {  	v12 =	vsub.f32 v43, v9;
	v6 =	vmul.f32 $1.442695020e+00, v61;
	(erf) = vpow2.f32 v62;
	v13 =	vpop (erf)  }
0x187: {  	(erf) = vpow2.f32 v3;
	v3 =	vsub.f32 v44, v9;
	v2 =	vadd.f32 v2, v13  }
0x188: {  	v4 =	vmul.f32 $1.442695020e+00, v12;
	v14 =	vpop (erf)  }
0x189: {  	(erf) = vpow2.f32 v6;
	v3 =	vmul.f32 $1.442695020e+00, v3;
	v2 =	vadd.f32 v2, v14  }
0x18a: {  	v16 =	vpop (erf)  }
0x18b: {  	v15 =	vsub.f32 v45, v9;
	(erf) = vpow2.f32 v4;
	v2 =	vadd.f32 v2, v16  }
0x18c: {  	v17 =	vsub.f32 v46, v9;
	v18 =	vpop (erf)  }
0x18d: {  	v5 =	vmul.f32 $1.442695020e+00, v15;
	(erf) = vpow2.f32 v3;
	v3 =	vpop (erf);
	v2 =	vadd.f32 v2, v18  }
0x18e: {  	v24 =	vsub.f32 v47, v9;
	v25 =	vpop (erf)  }
0x18f: {  	v4 =	vmul.f32 $1.442695020e+00, v17;
	(erf) = vpow2.f32 v5;
	v26 =	vpop (erf);
	v2 =	vadd.f32 v2, v25  }
0x190: {  	v27 =	vsub.f32 v48, v9;
	v28 =	vpop (erf)  }
0x191: {  	v6 =	vmul.f32 $1.442695020e+00, v24;
	(erf) = vpow2.f32 v4;
	v2 =	vadd.f32 v2, v28  }
0x192: {  	v29 =	vsub.f32 v49, v9;
	v30 =	vpop (erf)  }
0x193: {  	v7 =	vmul.f32 $1.442695020e+00, v27;
	(erf) = vpow2.f32 v6;
	v2 =	vadd.f32 v2, v30  }
0x194: {  	v31 =	vsub.f32 v50, v9;
	v32 =	vpop (erf)  }
0x195: {  	v4 =	vmul.f32 $1.442695020e+00, v29;
	(erf) = vpow2.f32 v7;
	v2 =	vadd.f32 v2, v32  }
0x196: {  	v33 =	vsub.f32 v51, v9;
	v34 =	vpop (erf)  }
0x197: {  	v6 =	vmul.f32 $1.442695020e+00, v31;
	(erf) = vpow2.f32 v4;
	v2 =	vadd.f32 v2, v34  }
0x198: {  	v35 =	vpop (erf)  }
0x199: {  	v7 =	vmul.f32 $1.442695020e+00, v33;
	(erf) = vpow2.f32 v6;
	v2 =	vadd.f32 v2, v35  }
0x19a: {  	v36 =	vpop (erf)  }
0x19b: {  	(erf) = vpow2.f32 v7;
	v2 =	vadd.f32 v2, v36  }
0x19c: {  	v37 =	vpop (erf)  }
0x19d: {  	v38 =	vld [tilespmem:s30+$0x0];
	v2 =	vadd.f32 v2, v37  }
0x19e: {  	v39 =	vpop (erf)  }
0x19f: {  	v2 =	vadd.f32 v2, v39  }
0x1a0: {  	v40 =	vpop (erf)  }
0x1a1: {  	v2 =	vadd.f32 v2, v40  }
0x1a2: {  	v41 =	vsub.f32 v38, v9;
	v42 =	vpop (erf)  }
0x1a3: {  	v2 =	vadd.f32 v2, v42  }
0x1a4: {  	v4 =	vmul.f32 $1.442695020e+00, v41;
	v43 =	vpop (erf)  }
0x1a5: {  	v2 =	vadd.f32 v2, v43  }
0x1a6: {  	(erf) = vpow2.f32 v4  }
0x1a7: {  	(erf) = vrcp.f32 v2;
	_ =	sdelay $0x7  }
0x1a8: {  	v45 =	vpop (erf)  }
0x1a9: {  	v47 =	vpop (erf)  }
0x1aa: {  	v6 =	vmul.f32 v47, v45  }
0x1ab: {  	v46 =	vld [tilespmem:s28+$0x180];
	v49 =	vor.u32 s26, v0  }
0x1ac: {  	v50 =	vmpcnt.ones.xlane vm1;
	vm2 =	vlt.u32 v49, $0x3E8;
	v44 =	vld [tilespmem:s28+$0x0];
	vm1 =	vgt.f32 v6, $5.000000070e-02  }
0x1ad: {  	v2 =	vld [tilespmem:s28+$0x100];
	vm1 =	vmand vm2, vm1  }
0x1ae: {  	v48 =	vld [tilespmem:s28+$0x80];
	v6 =	vnsel vm1, $0x0, v6  }
0x1af: {  	vm1 =	vgt.f32 v6, $0.0e+00  }
0x1b0: {  	v54 =	vmpcnt.ones.xlane vm1  }
0x1b1: {  	v51 =	vld [tilespmem:s28+$0x1000];
	(v2sf) =	vpush v50, $0x0  }
0x1b2: {  	v52 =	vld [tilespmem:s28+$0x1080];
	v2 =	vsub.f32 v2, v44;
	(v2sf) =	vpush v54, $0x0  }
0x1b3: {  	v7 =	vsub.f32 v46, v48  }
0x1b4: {  	v53 =	vmul.f32 $5.000000000e-01, v2  }
0x1b5: {  	v55 =	vmul.f32 $5.000000000e-01, v7  }
0x1b6: {  	v3 =	vmul.f32 v3, v2;
	v2 =	vmul.f32 v51, v2;
	v4 =	vadd.f32 v53, v44  }
0x1b7: {  	v56 =	vmul.f32 v26, v7;
	v57 =	vmul.f32 v52, v7  }
0x1b8: {  	v9 =	vadd.f32 v55, v48;
	v3 =	vmul.f32 $5.000000000e-01, v3;
	v2 =	vadd.f32 v4, v2;
	_ =	sdelay $0x1  }
0x1b9: {  	v5 =	vadd.f32 v9, v57;
	v4 =	vmul.f32 $5.000000000e-01, v56;
	v58 =	vadd.f32 v3, v2  }
0x1ba: {  	v2 =	vsub.f32 v2, v3  }
0x1bb: {  	v59 =	vadd.f32 v4, v5;
	v3 =	vmax.f32 v58, $0.0e+00  }
0x1bc: {  	v4 =	vsub.f32 v5, v4;
	v2 =	vmax.f32 v2, $0.0e+00;
	v3 =	vmin.f32 v3, $6.000000000e+02  }
0x1bd: {  	v60 =	vmax.f32 v59, $0.0e+00;
	v2 =	vmin.f32 v2, $6.000000000e+02;
	[tilespmem:s28+$0x8100] =	vst v3  }
0x1be: {  	v4 =	vmax.f32 v4, $0.0e+00;
	v5 =	vmin.f32 v60, $8.000000000e+02;
	[tilespmem:s28+$0x8000] =	vst v2  }
0x1bf: {  	s2 =	spop (v2sf);
	v4 =	vmin.f32 v4, $8.000000000e+02;
	[tilespmem:s28+$0x8180] =	vst v5  }
0x1c0: {  	s3 =	sadd.s32 $0x10, s25;
	s29 =	sadd.s32 s24, s2;
	[tilespmem:s28+$0x8080] =	vst v4;
	s30 =	spop (v2sf)  }
0x1c1: {  	v61 =	vsub.f32 v3, v2;
	v62 =	vsub.f32 v5, v4;
	[tilespmem:s3+$0x0] =	vst v1;
	s0 =	sadd.s32 s29, s30  }
0x1c2: {  	[tilespmem:s29+$0x9000] =	vst.msk vm1, v2;
	s31 =	sadd.s32 $0xF, s0  }
0x1c3: {  	v2 =	vmax.f32 v61, $0.0e+00;
	v63 =	vmax.f32 v62, $0.0e+00;
	[tilespmem:s29+$0x9480] =	vst.msk vm1, v4;
	s24 =	sshrl.u32 s31, $0x4  }
0x1c4: {  	v2 =	vmul.f32 v63, v2;
	[tilespmem:s29+$0x9900] =	vst.msk vm1, v3;
	p0 =	seq.s32 s24, $0x0  }
.Ltmp4:
0x1c5: {  	[tilespmem:s29+$0x9D80] =	vst.msk vm1, v5;
	(pc) =	sbr.rel @p0 .LBB2_15-.Ltmp4, $4  }
0x1c6: {  	[tilespmem:s29+$0xA200] =	vst.msk vm1, v2  }
0x1c7: {  	[tilespmem:s29+$0xA680] =	vst.msk vm1, v6  }
0x1c8: {  	[tilespmem:s29+$0xAB00] =	vst.msk vm1, v49  }
0x1c9: {  	[tilespmem:s0+$0xA680] =	vst v1  }
.Ltmp5:
0x1ca: {  	(pc) =	sbr.rel .LBB2_6-.Ltmp5, $4  }
0x1cb: {  	_ = 	snop  }
0x1cc: {  	s1 =	sadd.s32 $0x3, s0  }
0x1cd: {  	s25 =	sshrl.u32 s1, $0x2  }
0x1ce: {  	v2 =	vmov s0;
	s26 =	simm.s32 $0x0;
	p0 =	seq.s32 s25, $0x0  }
.LBB2_8:
0x1cf: {  	vm7 =	vmmov vm0  }
.LBB2_13:
0x1d0: {  	_ =	sdelay $0x3  }
0x1d1: {  	v11 =	vld.idx.msk [tilespmem:v25+s17+$0x0], $0xffff  }
0x1d2: {  	v14 =	vld.idx.msk [tilespmem:v25+s20+$0x0], $0xffff;
	_ =	sdelay $0x2  }
0x1d3: {  	v16 =	vmax.f32 v7, v29  }
0x1d4: {  	v18 =	vmin.f32 v8, v26;
	v53 =	vmul.f32 v31, v32;
	v16 =	vsub.f32 v30, v16  }
0x1d5: {  	v18 =	vsub.f32 v18, v24;
	v52 =	vmin.f32 v8, v14;
	v7 =	vmax.f32 v7, v11  }
0x1d6: {  	v56 =	vmax.f32 v34, $9.999999930e-09;
	v8 =	vsub.f32 v52, v23;
	v7 =	vsub.f32 v22, v7  }
0x1d7: {  	v55 =	vsub.f32 v28, v53;
	v54 =	vmax.f32 v18, $0.0e+00;
	v16 =	vmax.f32 v16, $0.0e+00  }
0x1d8: {  	v14 =	vmul.f32 v54, v16;
	v7 =	vmax.f32 v7, $0.0e+00;
	v8 =	vmax.f32 v8, $0.0e+00  }
0x1d9: {  	(erf) = vrcp.f32 v56;
	v7 =	vmul.f32 v8, v7  }
0x1da: {  	v57 =	vmax.f32 v55, $9.999999930e-09;
	v13 =	vsub.f32 v13, v14  }
0x1db: {  	(erf) = vrcp.f32 v57;
	v12 =	vsub.f32 v12, v7  }
0x1dc: {  	vm1 =	vmand vm1, vm11;
	v58 =	vmax.f32 v13, $9.999999930e-09  }
0x1dd: {  	vm2 =	vmmov @p1 vm2;
	(erf) = vrcp.f32 v58;
	v59 =	vmax.f32 v12, $9.999999930e-09  }
0x1de: {  	vm4 =	vmmov @p1 vm4;
	vm5 =	vmmov @p1 vm5;
	(erf) = vrcp.f32 v59  }
0x1df: {  	vm8 =	vmor vm8, vm10;
	vm6 =	vmmov vm6;
	vm3 =	vmmov @p1 vm3  }
0x1e0: {  	vm11 =	vgt.f32 @p1 v9, v3;
	vm12 =	vgt.f32 @p1 v10, v3;
	vm15 =	vgt.f32 v5, v3;
	v8 =	vpop @p1 (erf)  }
0x1e1: {  	vm5 =	vmor @p1 vm11, vm5;
	vm2 =	vmor @p1 vm12, vm2;
	v8 =	vmul.f32 @p1 v8, v20  }
0x1e2: {  	vm12 =	vmmov vm9;
	vm1 =	vmmov vm1;
	v60 =	vpop (erf);
	v12 =	vmul.f32 @p1 v33, v19  }
0x1e3: {  	vm13 =	vmmov vm6;
	vm11 =	vgt.f32 @p1 v8, $3.000000120e-01;
	v8 =	vmul.f32 v60, v15  }
0x1e4: {  	v61 =	vpop (erf);
	vm10 =	vgt.f32 @p1 v12, $3.000000120e-01;
	vm5 =	vmand @p1 vm5, vm11;
	vm11 =	vgt.f32 @p1 v17, $3.000000120e-01  }
0x1e5: {  	v9 =	vmul.f32 v61, v53;
	vm3 =	vmand @p1 vm3, vm10;
	vm10 =	vgt.f32 @p1 v21, $3.000000120e-01  }
0x1e6: {  	vm4 =	vmand @p1 vm4, vm11;
	vm2 =	vmand @p1 vm2, vm10;
	vm3 =	vmor @p1 vm3, vm5;
	v62 =	vpop (erf)  }
0x1e7: {  	vm5 =	vmmov vm12;
	vm12 =	vgt.f32 v6, v3;
	vm2 =	vmor @p1 vm3, vm2;
	v63 =	vpop (erf)  }
0x1e8: {  	vm3 =	vmmov vm8;
	v10 =	vmul.f32 v62, v14;
	v7 =	vmul.f32 v63, v7  }
0x1e9: {  	vm1 =	vmor vm12, vm1;
	vm2 =	vmor @p1 vm2, vm4;
	vm4 =	vmor vm15, vm13  }
0x1ea: {  	vm15 =	vgt.f32 v8, $3.000000120e-01;
	vm14 =	vgt.f32 v10, $3.000000120e-01;
	vm13 =	vgt.f32 v7, $3.000000120e-01  }
0x1eb: {  	vm5 =	vmand vm5, vm14;
	vm14 =	vgt.f32 v9, $3.000000120e-01;
	vm4 =	vmand vm4, vm13  }
0x1ec: {  	vm2 =	vmor @p1 vm7, vm2;
	vm1 =	vmand vm1, vm14;
	vm4 =	vmor vm5, vm4  }
0x1ed: {  	vm3 =	vmand vm3, vm15;
	vm5 =	vmmov vm0;
	vm1 =	vmor vm4, vm1  }
0x1ee: {  	vm5 =	vmmov @p1 vm2;
	vm1 =	vmor vm1, vm3  }
0x1ef: {  	vm1 =	vmor vm5, vm1  }
0x1f0: {  	v3 =	vsel vm1, $0x0, v3  }
.LBB2_14:
0x1f1: {  	v5 =	vld [tilespmem:s28+$0xAB00];
	_ =	sdelay $0x1  }
0x1f2: {  	vm1 =	vlt.s32 v4, v2;
	s26 =	sadd.s32 $0x1, s26  }
0x1f3: {  	p1 =	sne.s32 s26, s24  }
.Ltmp6:
0x1f4: {  	_ = 	snop;
	(pc) =	sbr.rel @!p1 .LBB2_15-.Ltmp6, $2  }
0x1f5: {  	_ =	sdelay $0x2  }
0x1f6: {  	[tilespmem:v5+s16+$0x0] =	vst.idx.msk vm1, v3  }
.LBB2_6:
.Ltmp7:
0x1f7: {  	(pc) =	sbr.rel @p0 .LBB2_14-.Ltmp7, $3  }
0x1f8: {  	_ =	sdelay $0x1  }
0x1f9: {  	s28 =	sshll.u32 s26, $0x4  }
0x1fa: {  	v3 =	vld [tilespmem:s28+$0xA680];
	v4 =	vor.u32 s28, v0  }
0x1fb: {  	s0 =	simm.s32 $0x3  }
0x1fc: {  	v7 =	vld [tilespmem:s28+$0x9000];
	v14 =	vmov s0  }
0x1fd: {  	v9 =	vld [tilespmem:s28+$0x9480];
	s29 =	simm.s32 $0x1  }
0x1fe: {  	v10 =	vld [tilespmem:s28+$0x9900];
	v25 =	vmov s29  }
0x1ff: {  	v8 =	vld [tilespmem:s28+$0x9D80];
	s30 =	simm.s32 $0x0  }
0x200: {  	v11 =	vld [tilespmem:s28+$0xA200];
	v16 =	vmov s30  }
0x201: {  	s31 =	simm.s32 $0x2;
	v12 =	vld.idx.msk [tilespmem:v14+s22+$0x0], $0xffff  }
0x202: {  	v13 =	vmov s31;
	v15 =	vld.idx.msk [tilespmem:v14+s21+$0x0], $0xffff  }
0x203: {  	v5 =	vld.idx.msk [tilespmem:v25+s22+$0x0], $0xffff  }
0x204: {  	v17 =	vld.idx.msk [tilespmem:v14+s20+$0x0], $0xffff  }
0x205: {  	v18 =	vld.idx.msk [tilespmem:v16+s22+$0x0], $0xffff  }
0x206: {  	v19 =	vld.idx.msk [tilespmem:v14+s19+$0x0], $0xffff  }
0x207: {  	v6 =	vld.idx.msk [tilespmem:v13+s22+$0x0], $0xffff  }
0x208: {  	v20 =	vld.idx.msk [tilespmem:v25+s21+$0x0], $0xffff  }
0x209: {  	v21 =	vld.idx.msk [tilespmem:v14+s17+$0x0], $0xffff  }
0x20a: {  	v22 =	vld.idx.msk [tilespmem:v14+s18+$0x0], $0xffff  }
0x20b: {  	v23 =	vld.idx.msk [tilespmem:v16+s21+$0x0], $0xffff  }
0x20c: {  	v26 =	vld.idx.msk [tilespmem:v13+s18+$0x0], $0xffff  }
0x20d: {  	vm1 =	vlt.s32 v13, v4;
	v28 =	vld.idx.msk [tilespmem:v13+s17+$0x0], $0xffff  }
0x20e: {  	vm2 =	vlt.s32 v25, v4;
	vm3 =	vlt.s32 v16, v4;
	v33 =	vld.idx.msk [tilespmem:v13+s21+$0x0], $0xffff;
	v27 =	vadd.f32 v15, v11  }
0x20f: {  	v24 =	vld.idx.msk [tilespmem:v13+s20+$0x0], $0xffff;
	v19 =	vmin.f32 v10, v19;
	v17 =	vmin.f32 v8, v17;
	vm4 =	veq.f32 v12, v3  }
0x210: {  	v29 =	vld.idx.msk [tilespmem:v16+s18+$0x0], $0xffff;
	vm5 =	veq.f32 v18, v3;
	vm6 =	veq.f32 v5, v3;
	v22 =	vmax.f32 v9, v22  }
0x211: {  	v15 =	vld.idx.msk [tilespmem:v13+s19+$0x0], $0xffff;
	v21 =	vmax.f32 v7, v21;
	v13 =	vadd.f32 v23, v11;
	vm8 =	vgt.f32 v12, v3  }
0x212: {  	v12 =	vadd.f32 v20, v11;
	v20 =	vmax.f32 v9, v26;
	v26 =	vmax.f32 v7, v28  }
0x213: {  	v63 =	vld.idx.msk [tilespmem:v25+s19+$0x0], $0xffff;
	vm11 =	veq.f32 v6, v3;
	v28 =	vadd.f32 v33, v11;
	vm6 =	vmand vm2, vm6  }
0x214: {  	v23 =	vld.idx.msk [tilespmem:v25+s18+$0x0], $0xffff;
	v17 =	vsub.f32 v17, v22;
	vm2 =	vmand vm3, vm5;
	v19 =	vsub.f32 v19, v21  }
0x215: {  	p2 =	sne.s32 s25, $0x1;
	v21 =	vld.idx.msk [tilespmem:v16+s19+$0x0], $0xffff;
	vm3 =	vgt.f32 v18, v3;
	v22 =	vmin.f32 v8, v24;
	v24 =	vmax.f32 v9, v29  }
.Ltmp8:
0x216: {  	vm5 =	vlt.s32 v14, v4;
	v20 =	vsub.f32 v22, v20;
	vm9 =	vmor vm3, vm2;
	(pc) =	sbr.rel @!p2 .LBB2_8-.Ltmp8, $4  }
0x217: {  	v19 =	vmax.f32 v19, $0.0e+00;
	v17 =	vmax.f32 v17, $0.0e+00;
	v15 =	vmin.f32 v10, v15  }
0x218: {  	vm10 =	vmand vm5, vm4;
	v14 =	vsub.f32 v15, v26;
	v15 =	vmul.f32 v17, v19  }
0x219: {  	v29 =	vld.idx.msk [tilespmem:v16+s17+$0x0], $0xffff;
	v22 =	vmin.f32 v10, v63;
	v31 =	vmax.f32 v20, $0.0e+00;
	v23 =	vmax.f32 v9, v23  }
0x21a: {  	s1 =	simm.s32 $0x7;
	p1 =	por $0x0, $0x0;
	s0 =	sadd.s32 $0xFFFFFFFF, s25;
	v30 =	vmin.f32 v10, v21;
	v26 =	vld.idx.msk [tilespmem:v16+s20+$0x0], $0xffff;
	v32 =	vmax.f32 v14, $0.0e+00;
	v34 =	vsub.f32 v27, v15  }
0x21b: {  	_ = 	snop  }
0x21c: {  	v27 =	vmov s1;
	_ =	sdelay $0x2  }
0x21d: {  	s30 =	simm.s32 $0x5;
	v17 =	vld.idx.msk [tilespmem:v25+s17+$0x0], $0xffff  }
0x21e: {  	s31 =	simm.s32 $0x4;
	v20 =	vld.idx.msk [tilespmem:v25+s20+$0x0], $0xffff;
	v14 =	vmov s30  }
0x21f: {  	s2 =	simm.s32 $0x6;
	v21 =	vmul.f32 v31, v32;
	v25 =	vmov s31;
	v31 =	vld.idx.msk [tilespmem:v27+s22+$0x0], $0xffff  }
0x220: {  	v57 =	vmov s2;
	v18 =	vmax.f32 v7, v29;
	v33 =	vld.idx.msk [tilespmem:v27+s21+$0x0], $0xffff  }
0x221: {  	v19 =	vsub.f32 v28, v21;
	v28 =	vsub.f32 v30, v18;
	v18 =	vmin.f32 v8, v26;
	v26 =	vld.idx.msk [tilespmem:v27+s20+$0x0], $0xffff  }
0x222: {  	vm2 =	vmand vm1, vm11;
	v16 =	vmax.f32 v34, $9.999999930e-09;
	v29 =	vld.idx.msk [tilespmem:v27+s19+$0x0], $0xffff  }
0x223: {  	vm4 =	vmor vm8, vm10;
	vm5 =	vmmov vm6;
	(erf) = vrcp.f32 v16;
	v16 =	vld.idx.msk [tilespmem:v14+s22+$0x0], $0xffff  }
0x224: {  	vm3 =	vmmov vm9;
	v24 =	vsub.f32 v18, v24;
	v18 =	vmax.f32 v19, $9.999999930e-09;
	v30 =	vld.idx.msk [tilespmem:v25+s22+$0x0], $0xffff  }
0x225: {  	v20 =	vmin.f32 v8, v20;
	v17 =	vmax.f32 v7, v17;
	(erf) = vrcp.f32 v18;
	v18 =	vld.idx.msk [tilespmem:v57+s22+$0x0], $0xffff  }
0x226: {  	vm12 =	vlt.s32 v27, v4;
	v20 =	vsub.f32 v20, v23;
	v23 =	vld.idx.msk [tilespmem:v14+s21+$0x0], $0xffff;
	v22 =	vsub.f32 v22, v17  }
0x227: {  	vm1 =	vlt.s32 v57, v4;
	v35 =	vld.idx.msk [tilespmem:v25+s21+$0x0], $0xffff;
	v19 =	vmax.f32 v24, $0.0e+00;
	v24 =	vmax.f32 v28, $0.0e+00  }
0x228: {  	v28 =	vld.idx.msk [tilespmem:v27+s17+$0x0], $0xffff;
	v19 =	vmul.f32 v19, v24;
	v22 =	vmax.f32 v22, $0.0e+00;
	v20 =	vmax.f32 v20, $0.0e+00  }
0x229: {  	vm6 =	vlt.s32 v14, v4;
	vm8 =	vlt.s32 v25, v4;
	v24 =	vld.idx.msk [tilespmem:v27+s18+$0x0], $0xffff;
	v20 =	vmul.f32 v20, v22  }
0x22a: {  	v60 =	vld.idx.msk [tilespmem:v57+s19+$0x0], $0xffff;
	v58 =	vadd.f32 v33, v11;
	v29 =	vmin.f32 v10, v29;
	v13 =	vsub.f32 v13, v19  }
0x22b: {  	v37 =	vld.idx.msk [tilespmem:v57+s17+$0x0], $0xffff;
	v26 =	vmin.f32 v8, v26;
	vm7 =	veq.f32 v31, v3;
	vm9 =	veq.f32 v30, v3  }
0x22c: {  	v22 =	vld.idx.msk [tilespmem:v57+s18+$0x0], $0xffff;
	v59 =	vpop (erf);
	vm10 =	veq.f32 v16, v3;
	v12 =	vsub.f32 v12, v20;
	vm11 =	veq.f32 v18, v3  }
0x22d: {  	v17 =	vmul.f32 v59, v15;
	v15 =	vld.idx.msk [tilespmem:v57+s20+$0x0], $0xffff;
	v13 =	vmax.f32 v13, $9.999999930e-09;
	v28 =	vmax.f32 v7, v28  }
0x22e: {  	vm6 =	vmand vm6, vm10;
	v24 =	vmax.f32 v9, v24;
	v28 =	vsub.f32 v29, v28;
	v29 =	vld.idx.msk [tilespmem:v25+s19+$0x0], $0xffff  }
0x22f: {  	vm9 =	vmand vm8, vm9;
	(erf) = vrcp.f32 v13;
	v24 =	vsub.f32 v26, v24;
	v26 =	vld.idx.msk [tilespmem:v25+s18+$0x0], $0xffff  }
0x230: {  	v61 =	vld.idx.msk [tilespmem:v57+s21+$0x0], $0xffff;
	vm8 =	vgt.f32 v31, v3;
	vm10 =	vgt.f32 v30, v3;
	v30 =	vmin.f32 v10, v60  }
0x231: {  	v38 =	vld.idx.msk [tilespmem:v14+s18+$0x0], $0xffff;
	v31 =	vmax.f32 v7, v37;
	v62 =	vmax.f32 v12, $9.999999930e-09;
	v12 =	vadd.f32 v23, v11  }
0x232: {  	v22 =	vmax.f32 v9, v22;
	v23 =	vmax.f32 v28, $0.0e+00;
	v28 =	vld.idx.msk [tilespmem:v14+s19+$0x0], $0xffff;
	v15 =	vmin.f32 v8, v15  }
0x233: {  	p2 =	sne.s32 s0, $0x1;
	v13 =	vadd.f32 v35, v11;
	v63 =	vmax.f32 v24, $0.0e+00;
	v15 =	vsub.f32 v15, v22  }
.Ltmp9:
0x234: {  	v24 =	vmax.f32 v9, v26;
	v26 =	vsub.f32 v30, v31;
	v30 =	vmin.f32 v10, v29;
	v29 =	vld.idx.msk [tilespmem:v25+s17+$0x0], $0xffff;
	(pc) =	sbr.rel @!p2 .LBB2_10-.Ltmp9, $4  }
0x235: {  	vm9 =	vmor vm10, vm9;
	vm10 =	vmand vm12, vm7;
	vm7 =	vmmov vm0;
	v36 =	vpop (erf)  }
0x236: {  	v21 =	vmul.f32 v36, v21;
	v31 =	vmax.f32 v15, $0.0e+00;
	v15 =	vmul.f32 v63, v23  }
0x237: {  	v22 =	vmin.f32 v10, v28;
	v28 =	vadd.f32 v61, v11;
	v23 =	vmax.f32 v9, v38  }
0x238: {  	s0 =	sadd.s32 $0xFFFFFFFF, s0;
	s1 =	simm.s32 $0xB;
	p1 =	por $0x1, $0x1;
	v32 =	vmax.f32 v26, $0.0e+00;
	v26 =	vld.idx.msk [tilespmem:v25+s20+$0x0], $0xffff;
	v33 =	vpop (erf);
	v34 =	vsub.f32 v58, v15;
	(erf) = vrcp.f32 v62  }
.LBB2_11:
0x239: {  	v25 =	vmov s1;
	v29 =	vmax.f32 v7, v29;
	vm12 =	vmmov vm2  }
0x23a: {  	s2 =	sadd.s32 $0xFFFFFFFD, s1;
	s3 =	sadd.s32 $0xFFFFFFFE, s1;
	s11 =	sadd.s32 $0xFFFFFFFF, s1;
	vm2 =	vmand vm1, vm11;
	vm11 =	vmmov vm4;
	vm13 =	vmmov vm5  }
0x23b: {  	p2 =	sne.s32 s0, $0x1;
	s0 =	sadd.s32 $0xFFFFFFFF, s0;
	v27 =	vmov s2;
	v35 =	vmov s3;
	v29 =	vsub.f32 v30, v29  }
0x23c: {  	v19 =	vmul.f32 v33, v19;
	v30 =	vmov s11;
	v34 =	vmax.f32 v34, $9.999999930e-09  }
0x23d: {  	v31 =	vmul.f32 v31, v32;
	vm4 =	vmor vm8, vm10;
	v33 =	vld.idx.msk [tilespmem:v14+s17+$0x0], $0xffff;
	(erf) = vrcp.f32 v34  }
0x23e: {  	vm5 =	vmmov vm6;
	vm10 =	vmmov vm3;
	vm3 =	vmmov vm9;
	v32 =	vld.idx.msk [tilespmem:v14+s20+$0x0], $0xffff;
	v14 =	vmovc v35  }
0x23f: {  	v28 =	vsub.f32 v28, v31;
	vm9 =	vgt.f32 v19, $3.000000120e-01;
	v34 =	vld.idx.msk [tilespmem:v25+s22+$0x0], $0xffff  }
0x240: {  	vm8 =	vgt.f32 v5, v3;
	vm14 =	vgt.f32 v6, v3;
	vm1 =	vlt.s32 v30, v4;
	v36 =	vld.idx.msk [tilespmem:v25+s21+$0x0], $0xffff  }
0x241: {  	v38 =	vmin.f32 v8, v26;
	v5 =	vmovc v16;
	vm13 =	vmor vm8, vm13;
	vm6 =	vlt.s32 v14, v4;
	v16 =	vld.idx.msk [tilespmem:v35+s22+$0x0], $0xffff  }
0x242: {  	vm12 =	vmor vm14, vm12;
	v19 =	vsub.f32 v38, v24;
	v37 =	vmax.f32 v28, $9.999999930e-09;
	v26 =	vld.idx.msk [tilespmem:v25+s20+$0x0], $0xffff;
	v24 =	vpop (erf)  }
0x243: {  	v6 =	vmovc v18;
	vm8 =	vlt.s32 v27, v4;
	v28 =	vld.idx.msk [tilespmem:v27+s22+$0x0], $0xffff;
	(erf) = vrcp.f32 v37;
	v37 =	vmul.f32 v24, v20  }
0x244: {  	vm14 =	vgt.f32 v17, $3.000000120e-01;
	vm9 =	vmand vm10, vm9;
	vm10 =	vgt.f32 v21, $3.000000120e-01;
	v24 =	vld.idx.msk [tilespmem:v25+s19+$0x0], $0xffff  }
0x245: {  	v17 =	vmax.f32 v19, $0.0e+00;
	vm10 =	vmand vm12, vm10;
	v18 =	vld.idx.msk [tilespmem:v30+s22+$0x0], $0xffff;
	vm15 =	vgt.f32 v37, $3.000000120e-01  }
0x246: {  	vm11 =	vmand vm11, vm14;
	v19 =	vmax.f32 v29, $0.0e+00;
	v35 =	vld.idx.msk [tilespmem:v35+s21+$0x0], $0xffff;
	v20 =	vpop (erf);
	vm12 =	vmand vm13, vm15  }
0x247: {  	v19 =	vmul.f32 v17, v19;
	v17 =	vmin.f32 v8, v32;
	v21 =	vld.idx.msk [tilespmem:v25+s17+$0x0], $0xffff;
	vm9 =	vmor vm9, vm12  }
0x248: {  	v32 =	vmax.f32 v7, v33;
	v23 =	vsub.f32 v17, v23;
	v29 =	vld.idx.msk [tilespmem:v25+s18+$0x0], $0xffff;
	vm9 =	vmor vm9, vm10  }
0x249: {  	v22 =	vsub.f32 v22, v32;
	v36 =	vadd.f32 v36, v11;
	v33 =	vld.idx.msk [tilespmem:v27+s21+$0x0], $0xffff;
	vm9 =	vmor vm9, vm11  }
0x24a: {  	v13 =	vsub.f32 v13, v19;
	v24 =	vmin.f32 v10, v24;
	v37 =	vld.idx.msk [tilespmem:v30+s21+$0x0], $0xffff;
	vm7 =	vmor vm7, vm9  }
0x24b: {  	v26 =	vmin.f32 v8, v26;
	v17 =	vmul.f32 v20, v15;
	vm10 =	veq.f32 v34, v3;
	v32 =	vld.idx.msk [tilespmem:v30+s20+$0x0], $0xffff  }
0x24c: {  	v20 =	vmax.f32 v22, $0.0e+00;
	v22 =	vmax.f32 v23, $0.0e+00;
	vm9 =	veq.f32 v28, v3;
	v15 =	vld.idx.msk [tilespmem:v30+s19+$0x0], $0xffff;
	v23 =	vpop (erf)  }
0x24d: {  	v13 =	vmax.f32 v13, $9.999999930e-09;
	v20 =	vmul.f32 v22, v20;
	vm11 =	veq.f32 v16, v3;
	v38 =	vld.idx.msk [tilespmem:v30+s18+$0x0], $0xffff  }
0x24e: {  	vm6 =	vmand vm6, vm11;
	v21 =	vmax.f32 v7, v21;
	v29 =	vmax.f32 v9, v29;
	v22 =	vld.idx.msk [tilespmem:v30+s17+$0x0], $0xffff  }
0x24f: {  	v12 =	vsub.f32 v12, v20;
	v39 =	vsub.f32 v26, v29;
	v30 =	vld.idx.msk [tilespmem:v27+s18+$0x0], $0xffff;
	(erf) = vrcp.f32 v13  }
0x250: {  	vm9 =	vmand vm8, vm9;
	v24 =	vsub.f32 v24, v21;
	v21 =	vmul.f32 v23, v31;
	v40 =	vld.idx.msk [tilespmem:v14+s19+$0x0], $0xffff  }
0x251: {  	vm8 =	vgt.f32 v34, v3;
	v41 =	vmax.f32 v12, $9.999999930e-09;
	v13 =	vadd.f32 v33, v11;
	v23 =	vld.idx.msk [tilespmem:v27+s19+$0x0], $0xffff  }
0x252: {  	vm12 =	vgt.f32 v28, v3;
	v12 =	vadd.f32 v35, v11;
	v28 =	vmax.f32 v24, $0.0e+00;
	v29 =	vld.idx.msk [tilespmem:v27+s17+$0x0], $0xffff  }
0x253: {  	v32 =	vmin.f32 v8, v32;
	v15 =	vmin.f32 v10, v15;
	v31 =	vmax.f32 v9, v38;
	v34 =	vld.idx.msk [tilespmem:v14+s18+$0x0], $0xffff  }
0x254: {  	vm11 =	veq.f32 v18, v3;
	v22 =	vmax.f32 v7, v22;
	v26 =	vld.idx.msk [tilespmem:v27+s20+$0x0], $0xffff;
	v27 =	vmax.f32 v39, $0.0e+00  }
.Ltmp10:
0x255: {  	vm13 =	vlt.s32 v25, v4;
	v31 =	vsub.f32 v32, v31;
	v24 =	vmax.f32 v9, v30;
	(pc) =	sbr.rel @p2 .LBB2_11-.Ltmp10, $4  }
0x256: {  	vm10 =	vmand vm13, vm10;
	vm9 =	vmor vm12, vm9;
	v25 =	vsub.f32 v15, v22  }
0x257: {  	v31 =	vmax.f32 v31, $0.0e+00;
	v15 =	vmul.f32 v27, v28;
	v30 =	vmin.f32 v10, v23  }
0x258: {  	v22 =	vmin.f32 v10, v40;
	v28 =	vadd.f32 v37, v11;
	v32 =	vmax.f32 v25, $0.0e+00;
	v33 =	vpop (erf)  }
0x259: {  	s1 =	sadd.s32 $0x4, s1;
	v23 =	vmax.f32 v9, v34;
	v34 =	vsub.f32 v36, v15;
	(erf) = vrcp.f32 v41  }
.Ltmp11:
0x25a: {  	(pc) =	sbr.rel .LBB2_13-.Ltmp11, $2  }
0x25b: {  	_ =	sdelay $0x2  }
0x25c: {  	v9 =	vmovc v5;
	v10 =	vmovc v6;
	v25 =	vmov v14;
	v5 =	vmov v16;
	v6 =	vmov v18  }
.LBB2_10:
.Ltmp12:
0x25d: {  	(pc) =	sbr.rel .LBB2_13-.Ltmp12, $3  }
0x25e: {  	_ =	sdelay $0x1  }
0x25f: {  	v9 =	vmov v5  }
0x260: {  	v10 =	vmovc v6;
	v25 =	vmovc v14;
	v5 =	vmov v16;
	v6 =	vmov v18;
	vm7 =	vmmov vm0  }
.LBB2_16:
0x261: {  	_ =	sfence.sel $0x180000  }
0x262: {  	[bflag:$0x0] =	sbarrier.arrive $0xFFFF  }
0x263: {  	_ =	strace $0x90000047  }
0x264: {  	s0 =	stileid.u32;
	[bflag:$0x2] =	sbarrier.arrive $0xFFFF  }
0x265: {  	p0 =	sne.s32 s0, $0x0;
	s0 =	rddreg [dreg:$0x3]  }
0x266: {  	s0 =	sadd.s32 @!p0 $0x100000, s0  }
0x267: {  	[sflag:s0] =	ssyncadd.tile.s32 @!p0 $0x1;
	_ =	shalt  }
.Lfunc_end2:
_tile_overlayer_lowered:
.L_overlay_start_2:
0x268: {  	(tag) =	ssettag $0x2  }
0x269: {  	s0 =	rddreg [dreg:$0x0];
	s2 =	stileid.u32  }
0x26a: {  	s1 =	rddreg [dreg:$0x1];
	p0 =	sne.s32 s2, $0x0  }
0x26b: {  	s3 =	rddreg [dreg:$0x2];
	[bflag:$0x3] =	sbarrier.arrive $0xFFFF;
	s2 =	simm.s32 @!p0 $0x1C01  }
0x26c: {  	[timem:s3], [sflag:s2] =	dma.local @!p0 [hbm:s0], s1  }
0x26d: {  	s0 =	simm.s32 @!p0 $0x1  }
0x26e: {  	_ =	swait.ge @!p0 [sflag:s0], s1  }
0x26f: {  	s1 =	ssub.s32 @!p0 $0x0, s1;
	[sflag:s0] =	ssyncset.done @!p0 $0x0  }
0x270: {  	[sflag:s0] =	ssyncadd.s32 @!p0 s1  }
0x271: {  	[bflag:$0x3] =	sbarrier.arrive $0xFFFF  }
0x272: {  	_ =	shalt  }

</sc_bundles>
